<compile_context>
chip_gen: v7x
topology: tpu7x:2x2x1
jax: 0.10.2.dev20260603
libtpu: 0.0.44.dev20260713+nightly
codegen_flags: <defaults>
</compile_context>

<pallas_src>
import functools

import jax
import jax.numpy as jnp
from jax import lax
from jax.experimental import pallas as pl
from jax.experimental.pallas import tpu as pltpu
from jax.experimental.pallas import tpu_sc as plsc

B = 16384
NC, NS = 2, 16
NW = NC * NS
BPW = B // NW
CHUNK = 128
NCHUNK = BPW // CHUNK

_MESH = plsc.VectorSubcoreMesh(core_axis_name="c", subcore_axis_name="s",
                               num_cores=NC, num_subcores=NS)


def _sc_gather_body(emb_u, emb_t, idx_u, idx_t, out_u, out_t,
                    vi_u, vi_t, rows, sem):
    wid = lax.axis_index("s") * NC + lax.axis_index("c")
    base = wid * BPW

    pltpu.sync_copy(idx_u.at[pl.ds(base, BPW)], vi_u)
    pltpu.sync_copy(idx_t.at[pl.ds(base, BPW)], vi_t)

    for iv, tbl, out in ((vi_u, emb_u, out_u), (vi_t, emb_t, out_t)):
        copies = [
            pltpu.async_copy(tbl.at[iv.at[pl.ds(c * CHUNK, CHUNK)]],
                             rows.at[pl.ds(c * CHUNK, CHUNK), :], sem)
            for c in range(NCHUNK)
        ]
        for cp in copies:
            cp.wait()
        pltpu.sync_copy(rows, out.at[pl.ds(base, BPW), :])


_sc_gather = functools.partial(
    pl.kernel,
    out_type=(jax.ShapeDtypeStruct((B, 128), jnp.float32),
              jax.ShapeDtypeStruct((B, 128), jnp.float32)),
    mesh=_MESH,
    scratch_types=(
        pltpu.VMEM((BPW,), jnp.int32),
        pltpu.VMEM((BPW,), jnp.int32),
        pltpu.VMEM((BPW, 128), jnp.float32),
        pltpu.SemaphoreType.DMA,
    ),
)(_sc_gather_body)


BLK = 512


def _onehot(idx, n):
    lanes = lax.broadcasted_iota(jnp.int32, (1, n), 1)
    return jnp.where(idx == lanes, 1.0, 0.0).astype(jnp.float32)


def _mlp_body(u, t, ix4, ten,
              w1u, w1t, w1c, w1g, w1a, w1r, w1ten, b1,
              ec, eg, ea, er, w2, b2, w3, b3, wp, bp, out):
    f32, bf = jnp.float32, jnp.bfloat16
    dot = lambda a, b: jnp.dot(a.astype(bf), b.astype(bf),
                               preferred_element_type=f32)

    cl, gr, ar, rg = (ix4[:, 0:1], ix4[:, 1:2], ix4[:, 2:3], ix4[:, 3:4])
    h = ten[...] * w1ten[...] + b1[...]
    h = h + dot(u[...], w1u[...])
    h = h + dot(t[...], w1t[...])
    h = h + dot(dot(_onehot(cl, 128), ec[...]), w1c[...])
    h = h + dot(dot(_onehot(gr, 1024), eg[...]), w1g[...])
    h = h + dot(dot(_onehot(ar, 128), ea[...]), w1a[...])
    h = h + dot(dot(_onehot(rg, 128), er[...]), w1r[...])
    h = jnp.maximum(h, 0.0)
    h = jnp.maximum(dot(h, w2[...]) + b2[...], 0.0)
    h = jnp.maximum(dot(h, w3[...]) + b3[...], 0.0)
    out[...] = dot(h, wp[...]) + bp[...]


def _mlp(args):
    blk = lambda w: pl.BlockSpec((BLK, w), lambda i: (i, 0))
    full = lambda shape: pl.BlockSpec(shape, lambda i: (0, 0))
    return pl.pallas_call(
        _mlp_body,
        grid=(B // BLK,),
        in_specs=(
            [blk(128), blk(128), blk(4), blk(1)]
            + [full((128, 256)), full((128, 256)), full((8, 256)),
               full((8, 256)), full((4, 256)), full((4, 256)),
               full((1, 256)), full((1, 256)),
               full((128, 8)), full((1024, 8)), full((128, 4)),
               full((128, 4)),
               full((256, 128)), full((1, 128)), full((128, 64)),
               full((1, 64)), full((64, 64)), full((1, 64))]
        ),
        out_specs=pl.BlockSpec((BLK, 64), lambda i: (i, 0)),
        out_shape=jax.ShapeDtypeStruct((B, 64), jnp.float32),
    )(*args)


def kernel(CustomerCode, TownName, Cluster, GroupHeaderName, Area,
           RegionCategory, TenureYears,
           emb_user, emb_town, emb_cluster, emb_group, emb_area, emb_region,
           W1, b1, W2, b2, W3, b3, Wp, bp):
    u128 = jnp.pad(emb_user.T, ((0, 96), (0, 0))).T
    t128 = jnp.pad(emb_town.T, ((0, 112), (0, 0))).T
    u, t = _sc_gather(u128, t128, CustomerCode, TownName)

    padv = lambda tb, v: jnp.pad(tb, ((0, v - tb.shape[0]), (0, 0)))
    padw = lambda w: jnp.pad(w, ((0, 128 - w.shape[0]), (0, 0)))
    ix4 = jnp.stack([Cluster, GroupHeaderName, Area, RegionCategory], axis=1)
    args = (
        u, t, ix4,
        TenureYears.reshape(B, 1),
        padw(W1[0:32]), padw(W1[32:48]), W1[48:56], W1[56:64], W1[64:68],
        W1[68:72], W1[72:73], b1.reshape(1, 256),
        padv(emb_cluster, 128), padv(emb_group, 1024), padv(emb_area, 128),
        padv(emb_region, 128),
        W2, b2.reshape(1, 128), W3, b3.reshape(1, 64),
        Wp, bp.reshape(1, 64),
    )
    return _mlp(args)

# --- scband reference (transcript-rebuilt; emitter-appended) ---
"""Pipeline reference for scband-user-tower-29532195127507 (READ-ONLY COPY).

The authoritative reference and input builder live on the scoring server;
editing this copy changes nothing except your own understanding.
"""

import jax, jax.numpy as jnp
import numpy as np

B = 16384
VOCABS = {"user": 1000000, "town": 10000, "cluster": 100, "group": 1000, "area": 100, "region": 10}
DIMS = {"user": 32, "town": 16, "cluster": 8, "group": 8, "area": 4, "region": 4}
FEAT = 32 + 16 + 8 + 8 + 4 + 4 + 1  # 73
LAYER_SIZES = [256, 128, 64]


def setup_inputs(seed: int = 0) -> dict:
    key = jax.random.key(seed)
    ks = jax.random.split(key, 24)
    d = {}
    d["CustomerCode"] = jax.random.randint(ks[0], (B,), 0, VOCABS["user"], dtype=jnp.int64 if jax.config.jax_enable_x64 else jnp.int32).astype(jnp.int32)
    d["TownName"] = jax.random.randint(ks[1], (B,), 0, VOCABS["town"]).astype(jnp.int32)
    d["Cluster"] = jax.random.randint(ks[2], (B,), 0, VOCABS["cluster"]).astype(jnp.int32)
    d["GroupHeaderName"] = jax.random.randint(ks[3], (B,), 0, VOCABS["group"]).astype(jnp.int32)
    d["Area"] = jax.random.randint(ks[4], (B,), 0, VOCABS["area"]).astype(jnp.int32)
    d["RegionCategory"] = jax.random.randint(ks[5], (B,), 0, VOCABS["region"]).astype(jnp.int32)
    d["TenureYears"] = jax.random.uniform(ks[6], (B,), dtype=jnp.float32) * 40.0
    d["emb_user"] = jax.random.normal(ks[7], (VOCABS["user"], DIMS["user"]), dtype=jnp.float32) * 0.05
    d["emb_town"] = jax.random.normal(ks[8], (VOCABS["town"], DIMS["town"]), dtype=jnp.float32) * 0.05
    d["emb_cluster"] = jax.random.normal(ks[9], (VOCABS["cluster"], DIMS["cluster"]), dtype=jnp.float32) * 0.05
    d["emb_group"] = jax.random.normal(ks[10], (VOCABS["group"], DIMS["group"]), dtype=jnp.float32) * 0.05
    d["emb_area"] = jax.random.normal(ks[11], (VOCABS["area"], DIMS["area"]), dtype=jnp.float32) * 0.05
    d["emb_region"] = jax.random.normal(ks[12], (VOCABS["region"], DIMS["region"]), dtype=jnp.float32) * 0.05
    d["W1"] = jax.random.normal(ks[13], (FEAT, LAYER_SIZES[0]), dtype=jnp.float32) * 0.05
    d["b1"] = jnp.zeros((LAYER_SIZES[0],), dtype=jnp.float32)
    d["W2"] = jax.random.normal(ks[14], (LAYER_SIZES[0], LAYER_SIZES[1]), dtype=jnp.float32) * 0.05
    d["b2"] = jnp.zeros((LAYER_SIZES[1],), dtype=jnp.float32)
    d["W3"] = jax.random.normal(ks[15], (LAYER_SIZES[1], LAYER_SIZES[2]), dtype=jnp.float32) * 0.05
    d["b3"] = jnp.zeros((LAYER_SIZES[2],), dtype=jnp.float32)
    d["Wp"] = jax.random.normal(ks[16], (LAYER_SIZES[2], LAYER_SIZES[-1]), dtype=jnp.float32) * 0.05
    d["bp"] = jnp.zeros((LAYER_SIZES[-1],), dtype=jnp.float32)
    return d


def reference(CustomerCode, TownName, Cluster, GroupHeaderName, Area, RegionCategory, TenureYears,
              emb_user, emb_town, emb_cluster, emb_group, emb_area, emb_region,
              W1, b1, W2, b2, W3, b3, Wp, bp):
    user_vec = jnp.take(emb_user, CustomerCode, axis=0)
    town_vec = jnp.take(emb_town, TownName, axis=0)
    cluster_vec = jnp.take(emb_cluster, Cluster, axis=0)
    group_vec = jnp.take(emb_group, GroupHeaderName, axis=0)
    area_vec = jnp.take(emb_area, Area, axis=0)
    region_vec = jnp.take(emb_region, RegionCategory, axis=0)
    tenure = TenureYears.astype(jnp.float32)[:, None]
    feat = jnp.concatenate([user_vec, town_vec, cluster_vec, group_vec, area_vec, region_vec, tenure], axis=1)
    # dense layers (dropout inactive at inference)
    h = jax.nn.relu(feat @ W1 + b1)
    h = jax.nn.relu(h @ W2 + b2)
    h = jax.nn.relu(h @ W3 + b3)
    return h @ Wp + bp

if __name__ == "__main__":
    import jax
    _d = setup_inputs()
    print(jax.jit(kernel)(*tuple(_d.values())))

</pallas_src>

<mosaic_0001>
#map = affine_map<(d0, d1) -> (0, 0)>
#map1 = affine_map<(d0, d1) -> (0)>
module attributes {stable_mosaic.version = 14 : i64} {
  func.func @_sc_gather_body(%arg0: i32, %arg1: i32, %arg2: memref<1000000x128xf32, #tpu.memory_space<hbm>>, %arg3: memref<10000x128xf32, #tpu.memory_space<hbm>>, %arg4: memref<16384xi32, #tpu.memory_space<hbm>>, %arg5: memref<16384xi32, #tpu.memory_space<hbm>>, %arg6: memref<16384x128xf32, #tpu.memory_space<hbm>>, %arg7: memref<16384x128xf32, #tpu.memory_space<hbm>>, %arg8: memref<512xi32, #tpu.memory_space<vmem>>, %arg9: memref<512xi32, #tpu.memory_space<vmem>>, %arg10: memref<512x128xf32, #tpu.memory_space<vmem>>, %arg11: memref<!tpu.dma_semaphore, #tpu.memory_space<semaphore_mem>>) attributes {dimension_semantics = [#tpu.dimension_semantics<core_parallel>, #tpu.dimension_semantics<subcore_parallel>], iteration_bounds = array<i64: 2, 16>, scalar_prefetch = 0 : i64, scratch_operands = 4 : i64, tpu.core_type = #tpu.core_type<sc_vector_subcore>, window_params = [{transform_indices = #map}, {transform_indices = #map}, {transform_indices = #map1}, {transform_indices = #map1}, {transform_indices = #map}, {transform_indices = #map}]} {
    %mul3A = arith.constant 2 : i32
    %mul3A_0 = arith.muli %arg1, %mul3A : i32
    %add3A = arith.addi %mul3A_0, %arg0 : i32
    %mul3A_1 = arith.constant 512 : i32
    %mul3A_2 = arith.muli %add3A, %mul3A_1 : i32
    "tpu.region"() ({
      %run_scoped3A = tpu.sem_alloc : memref<!tpu.dma_semaphore, #tpu.memory_space<semaphore_mem>>
      %dma_start3A_129 = tpu.memref_slice %arg4[%mul3A_2] : memref<16384xi32, #tpu.memory_space<hbm>> -> memref<512xi32, #tpu.memory_space<hbm>>
      %dma_start3A_130 = tpu.memref_slice %arg4[%mul3A_2] : memref<16384xi32, #tpu.memory_space<hbm>> -> memref<512xi32, #tpu.memory_space<hbm>>
      tpu.enqueue_dma source(%dma_start3A_130 : memref<512xi32, #tpu.memory_space<hbm>>) target(%arg8 : memref<512xi32, #tpu.memory_space<vmem>>) target_semaphore(%run_scoped3A : memref<!tpu.dma_semaphore, #tpu.memory_space<semaphore_mem>>)
      %dma_wait3A_131 = tpu.memref_slice %arg4[%mul3A_2] : memref<16384xi32, #tpu.memory_space<hbm>> -> memref<512xi32, #tpu.memory_space<hbm>>
      %dma_wait3A_132 = tpu.memref_slice %arg4[%mul3A_2] : memref<16384xi32, #tpu.memory_space<hbm>> -> memref<512xi32, #tpu.memory_space<hbm>>
      tpu.wait_dma2 semaphore(%run_scoped3A : memref<!tpu.dma_semaphore, #tpu.memory_space<semaphore_mem>>) src(%dma_wait3A_132 : memref<512xi32, #tpu.memory_space<hbm>>) dst(%arg8 : memref<512xi32, #tpu.memory_space<vmem>>)
      tpu.yield
    }) : () -> ()
    "tpu.region"() ({
      %run_scoped3A = tpu.sem_alloc : memref<!tpu.dma_semaphore, #tpu.memory_space<semaphore_mem>>
      %dma_start3A_129 = tpu.memref_slice %arg5[%mul3A_2] : memref<16384xi32, #tpu.memory_space<hbm>> -> memref<512xi32, #tpu.memory_space<hbm>>
      %dma_start3A_130 = tpu.memref_slice %arg5[%mul3A_2] : memref<16384xi32, #tpu.memory_space<hbm>> -> memref<512xi32, #tpu.memory_space<hbm>>
      tpu.enqueue_dma source(%dma_start3A_130 : memref<512xi32, #tpu.memory_space<hbm>>) target(%arg9 : memref<512xi32, #tpu.memory_space<vmem>>) target_semaphore(%run_scoped3A : memref<!tpu.dma_semaphore, #tpu.memory_space<semaphore_mem>>)
      %dma_wait3A_131 = tpu.memref_slice %arg5[%mul3A_2] : memref<16384xi32, #tpu.memory_space<hbm>> -> memref<512xi32, #tpu.memory_space<hbm>>
      %dma_wait3A_132 = tpu.memref_slice %arg5[%mul3A_2] : memref<16384xi32, #tpu.memory_space<hbm>> -> memref<512xi32, #tpu.memory_space<hbm>>
      tpu.wait_dma2 semaphore(%run_scoped3A : memref<!tpu.dma_semaphore, #tpu.memory_space<semaphore_mem>>) src(%dma_wait3A_132 : memref<512xi32, #tpu.memory_space<hbm>>) dst(%arg9 : memref<512xi32, #tpu.memory_space<vmem>>)
      tpu.yield
    }) : () -> ()
    %dma_start3A = arith.constant 0 : i32
    %dma_start3A_3 = arith.constant 0 : i32
    %dma_start3A_4 = tpu.memref_slice %arg10[%dma_start3A, %dma_start3A_3] : memref<512x128xf32, #tpu.memory_space<vmem>> -> memref<128x128xf32, #tpu.memory_space<vmem>>
    %dma_start3A_5 = arith.constant 0 : i32
    %dma_start3A_6 = tpu.memref_slice %arg8[%dma_start3A_5] : memref<512xi32, #tpu.memory_space<vmem>> -> memref<128xi32, #tpu.memory_space<vmem>>
    %dma_start3A_7 = arith.constant 0 : i32
    %dma_start3A_8 = arith.constant 0 : i32
    %dma_start3A_9 = tpu.memref_slice %arg2[%dma_start3A_7, %dma_start3A_8] : memref<1000000x128xf32, #tpu.memory_space<hbm>> -> memref<1000000x128xf32, #tpu.memory_space<hbm>>
    tpu.enqueue_indirect_dma source(%dma_start3A_9 : memref<1000000x128xf32, #tpu.memory_space<hbm>>) target(%dma_start3A_4 : memref<128x128xf32, #tpu.memory_space<vmem>>) offsets(%dma_start3A_6 : memref<128xi32, #tpu.memory_space<vmem>>) semaphore(%arg11 : memref<!tpu.dma_semaphore, #tpu.memory_space<semaphore_mem>>)
    %dma_start3A_10 = arith.constant 128 : i32
    %dma_start3A_11 = arith.constant 0 : i32
    %dma_start3A_12 = tpu.memref_slice %arg10[%dma_start3A_10, %dma_start3A_11] : memref<512x128xf32, #tpu.memory_space<vmem>> -> memref<128x128xf32, #tpu.memory_space<vmem>>
    %dma_start3A_13 = arith.constant 128 : i32
    %dma_start3A_14 = tpu.memref_slice %arg8[%dma_start3A_13] : memref<512xi32, #tpu.memory_space<vmem>> -> memref<128xi32, #tpu.memory_space<vmem>>
    %dma_start3A_15 = arith.constant 0 : i32
    %dma_start3A_16 = arith.constant 0 : i32
    %dma_start3A_17 = tpu.memref_slice %arg2[%dma_start3A_15, %dma_start3A_16] : memref<1000000x128xf32, #tpu.memory_space<hbm>> -> memref<1000000x128xf32, #tpu.memory_space<hbm>>
    tpu.enqueue_indirect_dma source(%dma_start3A_17 : memref<1000000x128xf32, #tpu.memory_space<hbm>>) target(%dma_start3A_12 : memref<128x128xf32, #tpu.memory_space<vmem>>) offsets(%dma_start3A_14 : memref<128xi32, #tpu.memory_space<vmem>>) semaphore(%arg11 : memref<!tpu.dma_semaphore, #tpu.memory_space<semaphore_mem>>)
    %dma_start3A_18 = arith.constant 256 : i32
    %dma_start3A_19 = arith.constant 0 : i32
    %dma_start3A_20 = tpu.memref_slice %arg10[%dma_start3A_18, %dma_start3A_19] : memref<512x128xf32, #tpu.memory_space<vmem>> -> memref<128x128xf32, #tpu.memory_space<vmem>>
    %dma_start3A_21 = arith.constant 256 : i32
    %dma_start3A_22 = tpu.memref_slice %arg8[%dma_start3A_21] : memref<512xi32, #tpu.memory_space<vmem>> -> memref<128xi32, #tpu.memory_space<vmem>>
    %dma_start3A_23 = arith.constant 0 : i32
    %dma_start3A_24 = arith.constant 0 : i32
    %dma_start3A_25 = tpu.memref_slice %arg2[%dma_start3A_23, %dma_start3A_24] : memref<1000000x128xf32, #tpu.memory_space<hbm>> -> memref<1000000x128xf32, #tpu.memory_space<hbm>>
    tpu.enqueue_indirect_dma source(%dma_start3A_25 : memref<1000000x128xf32, #tpu.memory_space<hbm>>) target(%dma_start3A_20 : memref<128x128xf32, #tpu.memory_space<vmem>>) offsets(%dma_start3A_22 : memref<128xi32, #tpu.memory_space<vmem>>) semaphore(%arg11 : memref<!tpu.dma_semaphore, #tpu.memory_space<semaphore_mem>>)
    %dma_start3A_26 = arith.constant 384 : i32
    %dma_start3A_27 = arith.constant 0 : i32
    %dma_start3A_28 = tpu.memref_slice %arg10[%dma_start3A_26, %dma_start3A_27] : memref<512x128xf32, #tpu.memory_space<vmem>> -> memref<128x128xf32, #tpu.memory_space<vmem>>
    %dma_start3A_29 = arith.constant 384 : i32
    %dma_start3A_30 = tpu.memref_slice %arg8[%dma_start3A_29] : memref<512xi32, #tpu.memory_space<vmem>> -> memref<128xi32, #tpu.memory_space<vmem>>
    %dma_start3A_31 = arith.constant 0 : i32
    %dma_start3A_32 = arith.constant 0 : i32
    %dma_start3A_33 = tpu.memref_slice %arg2[%dma_start3A_31, %dma_start3A_32] : memref<1000000x128xf32, #tpu.memory_space<hbm>> -> memref<1000000x128xf32, #tpu.memory_space<hbm>>
    tpu.enqueue_indirect_dma source(%dma_start3A_33 : memref<1000000x128xf32, #tpu.memory_space<hbm>>) target(%dma_start3A_28 : memref<128x128xf32, #tpu.memory_space<vmem>>) offsets(%dma_start3A_30 : memref<128xi32, #tpu.memory_space<vmem>>) semaphore(%arg11 : memref<!tpu.dma_semaphore, #tpu.memory_space<semaphore_mem>>)
    %dma_wait3A = arith.constant 0 : i32
    %dma_wait3A_34 = arith.constant 0 : i32
    %dma_wait3A_35 = tpu.memref_slice %arg10[%dma_wait3A, %dma_wait3A_34] : memref<512x128xf32, #tpu.memory_space<vmem>> -> memref<128x128xf32, #tpu.memory_space<vmem>>
    %dma_wait3A_36 = arith.constant 0 : i32
    %dma_wait3A_37 = tpu.memref_slice %arg8[%dma_wait3A_36] : memref<512xi32, #tpu.memory_space<vmem>> -> memref<128xi32, #tpu.memory_space<vmem>>
    %dma_wait3A_38 = arith.constant 0 : i32
    %dma_wait3A_39 = arith.constant 0 : i32
    %dma_wait3A_40 = tpu.memref_slice %arg2[%dma_wait3A_38, %dma_wait3A_39] : memref<1000000x128xf32, #tpu.memory_space<hbm>> -> memref<1000000x128xf32, #tpu.memory_space<hbm>>
    tpu.wait_indirect_dma semaphore(%arg11 : memref<!tpu.dma_semaphore, #tpu.memory_space<semaphore_mem>>) src(%dma_wait3A_40 : memref<1000000x128xf32, #tpu.memory_space<hbm>>) dst(%dma_wait3A_35 : memref<128x128xf32, #tpu.memory_space<vmem>>)
    %dma_wait3A_41 = arith.constant 128 : i32
    %dma_wait3A_42 = arith.constant 0 : i32
    %dma_wait3A_43 = tpu.memref_slice %arg10[%dma_wait3A_41, %dma_wait3A_42] : memref<512x128xf32, #tpu.memory_space<vmem>> -> memref<128x128xf32, #tpu.memory_space<vmem>>
    %dma_wait3A_44 = arith.constant 128 : i32
    %dma_wait3A_45 = tpu.memref_slice %arg8[%dma_wait3A_44] : memref<512xi32, #tpu.memory_space<vmem>> -> memref<128xi32, #tpu.memory_space<vmem>>
    %dma_wait3A_46 = arith.constant 0 : i32
    %dma_wait3A_47 = arith.constant 0 : i32
    %dma_wait3A_48 = tpu.memref_slice %arg2[%dma_wait3A_46, %dma_wait3A_47] : memref<1000000x128xf32, #tpu.memory_space<hbm>> -> memref<1000000x128xf32, #tpu.memory_space<hbm>>
    tpu.wait_indirect_dma semaphore(%arg11 : memref<!tpu.dma_semaphore, #tpu.memory_space<semaphore_mem>>) src(%dma_wait3A_48 : memref<1000000x128xf32, #tpu.memory_space<hbm>>) dst(%dma_wait3A_43 : memref<128x128xf32, #tpu.memory_space<vmem>>)
    %dma_wait3A_49 = arith.constant 256 : i32
    %dma_wait3A_50 = arith.constant 0 : i32
    %dma_wait3A_51 = tpu.memref_slice %arg10[%dma_wait3A_49, %dma_wait3A_50] : memref<512x128xf32, #tpu.memory_space<vmem>> -> memref<128x128xf32, #tpu.memory_space<vmem>>
    %dma_wait3A_52 = arith.constant 256 : i32
    %dma_wait3A_53 = tpu.memref_slice %arg8[%dma_wait3A_52] : memref<512xi32, #tpu.memory_space<vmem>> -> memref<128xi32, #tpu.memory_space<vmem>>
    %dma_wait3A_54 = arith.constant 0 : i32
    %dma_wait3A_55 = arith.constant 0 : i32
    %dma_wait3A_56 = tpu.memref_slice %arg2[%dma_wait3A_54, %dma_wait3A_55] : memref<1000000x128xf32, #tpu.memory_space<hbm>> -> memref<1000000x128xf32, #tpu.memory_space<hbm>>
    tpu.wait_indirect_dma semaphore(%arg11 : memref<!tpu.dma_semaphore, #tpu.memory_space<semaphore_mem>>) src(%dma_wait3A_56 : memref<1000000x128xf32, #tpu.memory_space<hbm>>) dst(%dma_wait3A_51 : memref<128x128xf32, #tpu.memory_space<vmem>>)
    %dma_wait3A_57 = arith.constant 384 : i32
    %dma_wait3A_58 = arith.constant 0 : i32
    %dma_wait3A_59 = tpu.memref_slice %arg10[%dma_wait3A_57, %dma_wait3A_58] : memref<512x128xf32, #tpu.memory_space<vmem>> -> memref<128x128xf32, #tpu.memory_space<vmem>>
    %dma_wait3A_60 = arith.constant 384 : i32
    %dma_wait3A_61 = tpu.memref_slice %arg8[%dma_wait3A_60] : memref<512xi32, #tpu.memory_space<vmem>> -> memref<128xi32, #tpu.memory_space<vmem>>
    %dma_wait3A_62 = arith.constant 0 : i32
    %dma_wait3A_63 = arith.constant 0 : i32
    %dma_wait3A_64 = tpu.memref_slice %arg2[%dma_wait3A_62, %dma_wait3A_63] : memref<1000000x128xf32, #tpu.memory_space<hbm>> -> memref<1000000x128xf32, #tpu.memory_space<hbm>>
    tpu.wait_indirect_dma semaphore(%arg11 : memref<!tpu.dma_semaphore, #tpu.memory_space<semaphore_mem>>) src(%dma_wait3A_64 : memref<1000000x128xf32, #tpu.memory_space<hbm>>) dst(%dma_wait3A_59 : memref<128x128xf32, #tpu.memory_space<vmem>>)
    "tpu.region"() ({
      %run_scoped3A = tpu.sem_alloc : memref<!tpu.dma_semaphore, #tpu.memory_space<semaphore_mem>>
      %dma_start3A_129 = arith.constant 0 : i32
      %dma_start3A_130 = tpu.memref_slice %arg6[%mul3A_2, %dma_start3A_129] : memref<16384x128xf32, #tpu.memory_space<hbm>> -> memref<512x128xf32, #tpu.memory_space<hbm>>
      %dma_start3A_131 = arith.constant 0 : i32
      %dma_start3A_132 = tpu.memref_slice %arg6[%mul3A_2, %dma_start3A_131] : memref<16384x128xf32, #tpu.memory_space<hbm>> -> memref<512x128xf32, #tpu.memory_space<hbm>>
      tpu.enqueue_dma source(%arg10 : memref<512x128xf32, #tpu.memory_space<vmem>>) target(%dma_start3A_132 : memref<512x128xf32, #tpu.memory_space<hbm>>) target_semaphore(%run_scoped3A : memref<!tpu.dma_semaphore, #tpu.memory_space<semaphore_mem>>)
      %dma_wait3A_133 = arith.constant 0 : i32
      %dma_wait3A_134 = tpu.memref_slice %arg6[%mul3A_2, %dma_wait3A_133] : memref<16384x128xf32, #tpu.memory_space<hbm>> -> memref<512x128xf32, #tpu.memory_space<hbm>>
      %dma_wait3A_135 = arith.constant 0 : i32
      %dma_wait3A_136 = tpu.memref_slice %arg6[%mul3A_2, %dma_wait3A_135] : memref<16384x128xf32, #tpu.memory_space<hbm>> -> memref<512x128xf32, #tpu.memory_space<hbm>>
      tpu.wait_dma2 semaphore(%run_scoped3A : memref<!tpu.dma_semaphore, #tpu.memory_space<semaphore_mem>>) src(%arg10 : memref<512x128xf32, #tpu.memory_space<vmem>>) dst(%dma_wait3A_136 : memref<512x128xf32, #tpu.memory_space<hbm>>)
      tpu.yield
    }) : () -> ()
    %dma_start3A_65 = arith.constant 0 : i32
    %dma_start3A_66 = arith.constant 0 : i32
    %dma_start3A_67 = tpu.memref_slice %arg10[%dma_start3A_65, %dma_start3A_66] : memref<512x128xf32, #tpu.memory_space<vmem>> -> memref<128x128xf32, #tpu.memory_space<vmem>>
    %dma_start3A_68 = arith.constant 0 : i32
    %dma_start3A_69 = tpu.memref_slice %arg9[%dma_start3A_68] : memref<512xi32, #tpu.memory_space<vmem>> -> memref<128xi32, #tpu.memory_space<vmem>>
    %dma_start3A_70 = arith.constant 0 : i32
    %dma_start3A_71 = arith.constant 0 : i32
    %dma_start3A_72 = tpu.memref_slice %arg3[%dma_start3A_70, %dma_start3A_71] : memref<10000x128xf32, #tpu.memory_space<hbm>> -> memref<10000x128xf32, #tpu.memory_space<hbm>>
    tpu.enqueue_indirect_dma source(%dma_start3A_72 : memref<10000x128xf32, #tpu.memory_space<hbm>>) target(%dma_start3A_67 : memref<128x128xf32, #tpu.memory_space<vmem>>) offsets(%dma_start3A_69 : memref<128xi32, #tpu.memory_space<vmem>>) semaphore(%arg11 : memref<!tpu.dma_semaphore, #tpu.memory_space<semaphore_mem>>)
    %dma_start3A_73 = arith.constant 128 : i32
    %dma_start3A_74 = arith.constant 0 : i32
    %dma_start3A_75 = tpu.memref_slice %arg10[%dma_start3A_73, %dma_start3A_74] : memref<512x128xf32, #tpu.memory_space<vmem>> -> memref<128x128xf32, #tpu.memory_space<vmem>>
    %dma_start3A_76 = arith.constant 128 : i32
    %dma_start3A_77 = tpu.memref_slice %arg9[%dma_start3A_76] : memref<512xi32, #tpu.memory_space<vmem>> -> memref<128xi32, #tpu.memory_space<vmem>>
    %dma_start3A_78 = arith.constant 0 : i32
    %dma_start3A_79 = arith.constant 0 : i32
    %dma_start3A_80 = tpu.memref_slice %arg3[%dma_start3A_78, %dma_start3A_79] : memref<10000x128xf32, #tpu.memory_space<hbm>> -> memref<10000x128xf32, #tpu.memory_space<hbm>>
    tpu.enqueue_indirect_dma source(%dma_start3A_80 : memref<10000x128xf32, #tpu.memory_space<hbm>>) target(%dma_start3A_75 : memref<128x128xf32, #tpu.memory_space<vmem>>) offsets(%dma_start3A_77 : memref<128xi32, #tpu.memory_space<vmem>>) semaphore(%arg11 : memref<!tpu.dma_semaphore, #tpu.memory_space<semaphore_mem>>)
    %dma_start3A_81 = arith.constant 256 : i32
    %dma_start3A_82 = arith.constant 0 : i32
    %dma_start3A_83 = tpu.memref_slice %arg10[%dma_start3A_81, %dma_start3A_82] : memref<512x128xf32, #tpu.memory_space<vmem>> -> memref<128x128xf32, #tpu.memory_space<vmem>>
    %dma_start3A_84 = arith.constant 256 : i32
    %dma_start3A_85 = tpu.memref_slice %arg9[%dma_start3A_84] : memref<512xi32, #tpu.memory_space<vmem>> -> memref<128xi32, #tpu.memory_space<vmem>>
    %dma_start3A_86 = arith.constant 0 : i32
    %dma_start3A_87 = arith.constant 0 : i32
    %dma_start3A_88 = tpu.memref_slice %arg3[%dma_start3A_86, %dma_start3A_87] : memref<10000x128xf32, #tpu.memory_space<hbm>> -> memref<10000x128xf32, #tpu.memory_space<hbm>>
    tpu.enqueue_indirect_dma source(%dma_start3A_88 : memref<10000x128xf32, #tpu.memory_space<hbm>>) target(%dma_start3A_83 : memref<128x128xf32, #tpu.memory_space<vmem>>) offsets(%dma_start3A_85 : memref<128xi32, #tpu.memory_space<vmem>>) semaphore(%arg11 : memref<!tpu.dma_semaphore, #tpu.memory_space<semaphore_mem>>)
    %dma_start3A_89 = arith.constant 384 : i32
    %dma_start3A_90 = arith.constant 0 : i32
    %dma_start3A_91 = tpu.memref_slice %arg10[%dma_start3A_89, %dma_start3A_90] : memref<512x128xf32, #tpu.memory_space<vmem>> -> memref<128x128xf32, #tpu.memory_space<vmem>>
    %dma_start3A_92 = arith.constant 384 : i32
    %dma_start3A_93 = tpu.memref_slice %arg9[%dma_start3A_92] : memref<512xi32, #tpu.memory_space<vmem>> -> memref<128xi32, #tpu.memory_space<vmem>>
    %dma_start3A_94 = arith.constant 0 : i32
    %dma_start3A_95 = arith.constant 0 : i32
    %dma_start3A_96 = tpu.memref_slice %arg3[%dma_start3A_94, %dma_start3A_95] : memref<10000x128xf32, #tpu.memory_space<hbm>> -> memref<10000x128xf32, #tpu.memory_space<hbm>>
    tpu.enqueue_indirect_dma source(%dma_start3A_96 : memref<10000x128xf32, #tpu.memory_space<hbm>>) target(%dma_start3A_91 : memref<128x128xf32, #tpu.memory_space<vmem>>) offsets(%dma_start3A_93 : memref<128xi32, #tpu.memory_space<vmem>>) semaphore(%arg11 : memref<!tpu.dma_semaphore, #tpu.memory_space<semaphore_mem>>)
    %dma_wait3A_97 = arith.constant 0 : i32
    %dma_wait3A_98 = arith.constant 0 : i32
    %dma_wait3A_99 = tpu.memref_slice %arg10[%dma_wait3A_97, %dma_wait3A_98] : memref<512x128xf32, #tpu.memory_space<vmem>> -> memref<128x128xf32, #tpu.memory_space<vmem>>
    %dma_wait3A_100 = arith.constant 0 : i32
    %dma_wait3A_101 = tpu.memref_slice %arg9[%dma_wait3A_100] : memref<512xi32, #tpu.memory_space<vmem>> -> memref<128xi32, #tpu.memory_space<vmem>>
    %dma_wait3A_102 = arith.constant 0 : i32
    %dma_wait3A_103 = arith.constant 0 : i32
    %dma_wait3A_104 = tpu.memref_slice %arg3[%dma_wait3A_102, %dma_wait3A_103] : memref<10000x128xf32, #tpu.memory_space<hbm>> -> memref<10000x128xf32, #tpu.memory_space<hbm>>
    tpu.wait_indirect_dma semaphore(%arg11 : memref<!tpu.dma_semaphore, #tpu.memory_space<semaphore_mem>>) src(%dma_wait3A_104 : memref<10000x128xf32, #tpu.memory_space<hbm>>) dst(%dma_wait3A_99 : memref<128x128xf32, #tpu.memory_space<vmem>>)
    %dma_wait3A_105 = arith.constant 128 : i32
    %dma_wait3A_106 = arith.constant 0 : i32
    %dma_wait3A_107 = tpu.memref_slice %arg10[%dma_wait3A_105, %dma_wait3A_106] : memref<512x128xf32, #tpu.memory_space<vmem>> -> memref<128x128xf32, #tpu.memory_space<vmem>>
    %dma_wait3A_108 = arith.constant 128 : i32
    %dma_wait3A_109 = tpu.memref_slice %arg9[%dma_wait3A_108] : memref<512xi32, #tpu.memory_space<vmem>> -> memref<128xi32, #tpu.memory_space<vmem>>
    %dma_wait3A_110 = arith.constant 0 : i32
    %dma_wait3A_111 = arith.constant 0 : i32
    %dma_wait3A_112 = tpu.memref_slice %arg3[%dma_wait3A_110, %dma_wait3A_111] : memref<10000x128xf32, #tpu.memory_space<hbm>> -> memref<10000x128xf32, #tpu.memory_space<hbm>>
    tpu.wait_indirect_dma semaphore(%arg11 : memref<!tpu.dma_semaphore, #tpu.memory_space<semaphore_mem>>) src(%dma_wait3A_112 : memref<10000x128xf32, #tpu.memory_space<hbm>>) dst(%dma_wait3A_107 : memref<128x128xf32, #tpu.memory_space<vmem>>)
    %dma_wait3A_113 = arith.constant 256 : i32
    %dma_wait3A_114 = arith.constant 0 : i32
    %dma_wait3A_115 = tpu.memref_slice %arg10[%dma_wait3A_113, %dma_wait3A_114] : memref<512x128xf32, #tpu.memory_space<vmem>> -> memref<128x128xf32, #tpu.memory_space<vmem>>
    %dma_wait3A_116 = arith.constant 256 : i32
    %dma_wait3A_117 = tpu.memref_slice %arg9[%dma_wait3A_116] : memref<512xi32, #tpu.memory_space<vmem>> -> memref<128xi32, #tpu.memory_space<vmem>>
    %dma_wait3A_118 = arith.constant 0 : i32
    %dma_wait3A_119 = arith.constant 0 : i32
    %dma_wait3A_120 = tpu.memref_slice %arg3[%dma_wait3A_118, %dma_wait3A_119] : memref<10000x128xf32, #tpu.memory_space<hbm>> -> memref<10000x128xf32, #tpu.memory_space<hbm>>
    tpu.wait_indirect_dma semaphore(%arg11 : memref<!tpu.dma_semaphore, #tpu.memory_space<semaphore_mem>>) src(%dma_wait3A_120 : memref<10000x128xf32, #tpu.memory_space<hbm>>) dst(%dma_wait3A_115 : memref<128x128xf32, #tpu.memory_space<vmem>>)
    %dma_wait3A_121 = arith.constant 384 : i32
    %dma_wait3A_122 = arith.constant 0 : i32
    %dma_wait3A_123 = tpu.memref_slice %arg10[%dma_wait3A_121, %dma_wait3A_122] : memref<512x128xf32, #tpu.memory_space<vmem>> -> memref<128x128xf32, #tpu.memory_space<vmem>>
    %dma_wait3A_124 = arith.constant 384 : i32
    %dma_wait3A_125 = tpu.memref_slice %arg9[%dma_wait3A_124] : memref<512xi32, #tpu.memory_space<vmem>> -> memref<128xi32, #tpu.memory_space<vmem>>
    %dma_wait3A_126 = arith.constant 0 : i32
    %dma_wait3A_127 = arith.constant 0 : i32
    %dma_wait3A_128 = tpu.memref_slice %arg3[%dma_wait3A_126, %dma_wait3A_127] : memref<10000x128xf32, #tpu.memory_space<hbm>> -> memref<10000x128xf32, #tpu.memory_space<hbm>>
    tpu.wait_indirect_dma semaphore(%arg11 : memref<!tpu.dma_semaphore, #tpu.memory_space<semaphore_mem>>) src(%dma_wait3A_128 : memref<10000x128xf32, #tpu.memory_space<hbm>>) dst(%dma_wait3A_123 : memref<128x128xf32, #tpu.memory_space<vmem>>)
    "tpu.region"() ({
      %run_scoped3A = tpu.sem_alloc : memref<!tpu.dma_semaphore, #tpu.memory_space<semaphore_mem>>
      %dma_start3A_129 = arith.constant 0 : i32
      %dma_start3A_130 = tpu.memref_slice %arg7[%mul3A_2, %dma_start3A_129] : memref<16384x128xf32, #tpu.memory_space<hbm>> -> memref<512x128xf32, #tpu.memory_space<hbm>>
      %dma_start3A_131 = arith.constant 0 : i32
      %dma_start3A_132 = tpu.memref_slice %arg7[%mul3A_2, %dma_start3A_131] : memref<16384x128xf32, #tpu.memory_space<hbm>> -> memref<512x128xf32, #tpu.memory_space<hbm>>
      tpu.enqueue_dma source(%arg10 : memref<512x128xf32, #tpu.memory_space<vmem>>) target(%dma_start3A_132 : memref<512x128xf32, #tpu.memory_space<hbm>>) target_semaphore(%run_scoped3A : memref<!tpu.dma_semaphore, #tpu.memory_space<semaphore_mem>>)
      %dma_wait3A_133 = arith.constant 0 : i32
      %dma_wait3A_134 = tpu.memref_slice %arg7[%mul3A_2, %dma_wait3A_133] : memref<16384x128xf32, #tpu.memory_space<hbm>> -> memref<512x128xf32, #tpu.memory_space<hbm>>
      %dma_wait3A_135 = arith.constant 0 : i32
      %dma_wait3A_136 = tpu.memref_slice %arg7[%mul3A_2, %dma_wait3A_135] : memref<16384x128xf32, #tpu.memory_space<hbm>> -> memref<512x128xf32, #tpu.memory_space<hbm>>
      tpu.wait_dma2 semaphore(%run_scoped3A : memref<!tpu.dma_semaphore, #tpu.memory_space<semaphore_mem>>) src(%arg10 : memref<512x128xf32, #tpu.memory_space<vmem>>) dst(%dma_wait3A_136 : memref<512x128xf32, #tpu.memory_space<hbm>>)
      tpu.yield
    }) : () -> ()
    return
  }
}

module attributes {stable_mosaic.version = 14 : i64} {
  func.func @_mlp_body(%arg0: i32, %arg1: memref<512x128xf32, #tpu.memory_space<vmem>>, %arg2: memref<512x128xf32, #tpu.memory_space<vmem>>, %arg3: memref<512x4xi32, #tpu.memory_space<vmem>>, %arg4: memref<512x1xf32, #tpu.memory_space<vmem>>, %arg5: memref<128x256xf32, #tpu.memory_space<vmem>>, %arg6: memref<128x256xf32, #tpu.memory_space<vmem>>, %arg7: memref<8x256xf32, #tpu.memory_space<vmem>>, %arg8: memref<8x256xf32, #tpu.memory_space<vmem>>, %arg9: memref<4x256xf32, #tpu.memory_space<vmem>>, %arg10: memref<4x256xf32, #tpu.memory_space<vmem>>, %arg11: memref<1x256xf32, #tpu.memory_space<vmem>>, %arg12: memref<1x256xf32, #tpu.memory_space<vmem>>, %arg13: memref<128x8xf32, #tpu.memory_space<vmem>>, %arg14: memref<1024x8xf32, #tpu.memory_space<vmem>>, %arg15: memref<128x4xf32, #tpu.memory_space<vmem>>, %arg16: memref<128x4xf32, #tpu.memory_space<vmem>>, %arg17: memref<256x128xf32, #tpu.memory_space<vmem>>, %arg18: memref<1x128xf32, #tpu.memory_space<vmem>>, %arg19: memref<128x64xf32, #tpu.memory_space<vmem>>, %arg20: memref<1x64xf32, #tpu.memory_space<vmem>>, %arg21: memref<64x64xf32, #tpu.memory_space<vmem>>, %arg22: memref<1x64xf32, #tpu.memory_space<vmem>>, %arg23: memref<512x64xf32, #tpu.memory_space<vmem>>) attributes {dimension_semantics = [#tpu.dimension_semantics<arbitrary>], iteration_bounds = array<i64: 32>, scalar_prefetch = 0 : i64, scratch_operands = 0 : i64, tpu.core_type = #tpu.core_type<tc>, window_params = [{transform_indices = @transform_0, window_bounds = array<i64: 512, 128>}, {transform_indices = @transform_1, window_bounds = array<i64: 512, 128>}, {transform_indices = @transform_2, window_bounds = array<i64: 512, 4>}, {transform_indices = @transform_3, window_bounds = array<i64: 512, 1>}, {pipeline_mode = #tpu.pipeline_mode<synchronous>, transform_indices = @transform_4, window_bounds = array<i64: 128, 256>}, {pipeline_mode = #tpu.pipeline_mode<synchronous>, transform_indices = @transform_5, window_bounds = array<i64: 128, 256>}, {pipeline_mode = #tpu.pipeline_mode<synchronous>, transform_indices = @transform_6, window_bounds = array<i64: 8, 256>}, {pipeline_mode = #tpu.pipeline_mode<synchronous>, transform_indices = @transform_7, window_bounds = array<i64: 8, 256>}, {pipeline_mode = #tpu.pipeline_mode<synchronous>, transform_indices = @transform_8, window_bounds = array<i64: 4, 256>}, {pipeline_mode = #tpu.pipeline_mode<synchronous>, transform_indices = @transform_9, window_bounds = array<i64: 4, 256>}, {pipeline_mode = #tpu.pipeline_mode<synchronous>, transform_indices = @transform_10, window_bounds = array<i64: 1, 256>}, {pipeline_mode = #tpu.pipeline_mode<synchronous>, transform_indices = @transform_11, window_bounds = array<i64: 1, 256>}, {pipeline_mode = #tpu.pipeline_mode<synchronous>, transform_indices = @transform_12, window_bounds = array<i64: 128, 8>}, {pipeline_mode = #tpu.pipeline_mode<synchronous>, transform_indices = @transform_13, window_bounds = array<i64: 1024, 8>}, {pipeline_mode = #tpu.pipeline_mode<synchronous>, transform_indices = @transform_14, window_bounds = array<i64: 128, 4>}, {pipeline_mode = #tpu.pipeline_mode<synchronous>, transform_indices = @transform_15, window_bounds = array<i64: 128, 4>}, {pipeline_mode = #tpu.pipeline_mode<synchronous>, transform_indices = @transform_16, window_bounds = array<i64: 256, 128>}, {pipeline_mode = #tpu.pipeline_mode<synchronous>, transform_indices = @transform_17, window_bounds = array<i64: 1, 128>}, {pipeline_mode = #tpu.pipeline_mode<synchronous>, transform_indices = @transform_18, window_bounds = array<i64: 128, 64>}, {pipeline_mode = #tpu.pipeline_mode<synchronous>, transform_indices = @transform_19, window_bounds = array<i64: 1, 64>}, {pipeline_mode = #tpu.pipeline_mode<synchronous>, transform_indices = @transform_20, window_bounds = array<i64: 64, 64>}, {pipeline_mode = #tpu.pipeline_mode<synchronous>, transform_indices = @transform_21, window_bounds = array<i64: 1, 64>}, {transform_indices = @transform_22, window_bounds = array<i64: 512, 64>}]} {
    %get3A = arith.constant 0 : index
    %get3A_0 = arith.constant 0 : index
    %get3A_1 = vector.load %arg3[%get3A, %get3A_0] : memref<512x4xi32, #tpu.memory_space<vmem>>, vector<512x1xi32>
    %get3A_2 = arith.constant 0 : index
    %get3A_3 = arith.constant 1 : index
    %get3A_4 = vector.load %arg3[%get3A_2, %get3A_3] : memref<512x4xi32, #tpu.memory_space<vmem>>, vector<512x1xi32>
    %get3A_5 = arith.constant 0 : index
    %get3A_6 = arith.constant 2 : index
    %get3A_7 = vector.load %arg3[%get3A_5, %get3A_6] : memref<512x4xi32, #tpu.memory_space<vmem>>, vector<512x1xi32>
    %get3A_8 = arith.constant 0 : index
    %get3A_9 = arith.constant 3 : index
    %get3A_10 = vector.load %arg3[%get3A_8, %get3A_9] : memref<512x4xi32, #tpu.memory_space<vmem>>, vector<512x1xi32>
    %get3A_11 = arith.constant 0 : index
    %get3A_12 = arith.constant 0 : index
    %get3A_13 = vector.load %arg4[%get3A_11, %get3A_12] : memref<512x1xf32, #tpu.memory_space<vmem>>, vector<512x1xf32>
    %get3A_14 = arith.constant 0 : index
    %get3A_15 = arith.constant 0 : index
    %get3A_16 = vector.load %arg11[%get3A_14, %get3A_15] : memref<1x256xf32, #tpu.memory_space<vmem>>, vector<1x256xf32>
    %mul3A = vector.broadcast %get3A_13 : vector<512x1xf32> to vector<512x256xf32>
    %mul3A_17 = vector.broadcast %get3A_16 : vector<1x256xf32> to vector<512x256xf32>
    %mul3A_18 = arith.mulf %mul3A, %mul3A_17 : vector<512x256xf32>
    %get3A_19 = arith.constant 0 : index
    %get3A_20 = arith.constant 0 : index
    %get3A_21 = vector.load %arg12[%get3A_19, %get3A_20] : memref<1x256xf32, #tpu.memory_space<vmem>>, vector<1x256xf32>
    %add3A = vector.broadcast %get3A_21 : vector<1x256xf32> to vector<512x256xf32>
    %add3A_22 = arith.addf %mul3A_18, %add3A : vector<512x256xf32>
    %get3A_23 = arith.constant 0 : index
    %get3A_24 = arith.constant 0 : index
    %get3A_25 = vector.load %arg1[%get3A_23, %get3A_24] : memref<512x128xf32, #tpu.memory_space<vmem>>, vector<512x128xf32>
    %get3A_26 = arith.constant 0 : index
    %get3A_27 = arith.constant 0 : index
    %get3A_28 = vector.load %arg5[%get3A_26, %get3A_27] : memref<128x256xf32, #tpu.memory_space<vmem>>, vector<128x256xf32>
    %convert_element_type3A = arith.truncf %get3A_25 : vector<512x128xf32> to vector<512x128xbf16>
    %convert_element_type3A_29 = arith.truncf %get3A_28 : vector<128x256xf32> to vector<128x256xbf16>
    %dot_general3A = arith.constant dense<0.000000e+00> : vector<512x256xf32>
    %dot_general3A_30 = tpu.matmul %convert_element_type3A, %convert_element_type3A_29, %dot_general3A {dimension_numbers = #tpu.dot_dimension_numbers<[1], [0], [0], [1], [0, 0, 1, 1], [], []>, transpose_lhs_hint = false} : vector<512x128xbf16>, vector<128x256xbf16>, vector<512x256xf32> -> vector<512x256xf32>
    %add3A_31 = arith.addf %add3A_22, %dot_general3A_30 : vector<512x256xf32>
    %get3A_32 = arith.constant 0 : index
    %get3A_33 = arith.constant 0 : index
    %get3A_34 = vector.load %arg2[%get3A_32, %get3A_33] : memref<512x128xf32, #tpu.memory_space<vmem>>, vector<512x128xf32>
    %get3A_35 = arith.constant 0 : index
    %get3A_36 = arith.constant 0 : index
    %get3A_37 = vector.load %arg6[%get3A_35, %get3A_36] : memref<128x256xf32, #tpu.memory_space<vmem>>, vector<128x256xf32>
    %convert_element_type3A_38 = arith.truncf %get3A_34 : vector<512x128xf32> to vector<512x128xbf16>
    %convert_element_type3A_39 = arith.truncf %get3A_37 : vector<128x256xf32> to vector<128x256xbf16>
    %dot_general3A_40 = arith.constant dense<0.000000e+00> : vector<512x256xf32>
    %dot_general3A_41 = tpu.matmul %convert_element_type3A_38, %convert_element_type3A_39, %dot_general3A_40 {dimension_numbers = #tpu.dot_dimension_numbers<[1], [0], [0], [1], [0, 0, 1, 1], [], []>, transpose_lhs_hint = false} : vector<512x128xbf16>, vector<128x256xbf16>, vector<512x256xf32> -> vector<512x256xf32>
    %add3A_42 = arith.addf %add3A_31, %dot_general3A_41 : vector<512x256xf32>
    %iota3A = tpu.iota {dimensions = array<i32: 1>} : vector<1x128xi32>
    %eq3A = vector.broadcast %get3A_1 : vector<512x1xi32> to vector<512x128xi32>
    %eq3A_43 = vector.broadcast %iota3A : vector<1x128xi32> to vector<512x128xi32>
    %eq3A_44 = arith.cmpi eq, %eq3A, %eq3A_43 : vector<512x128xi32>
    %jit3A = arith.constant 1.000000e+00 : f32
    %jit3A_45 = arith.constant 0.000000e+00 : f32
    %broadcast_in_dim3A = vector.broadcast %jit3A : f32 to vector<512x128xf32>
    %broadcast_in_dim3A_46 = vector.broadcast %jit3A_45 : f32 to vector<512x128xf32>
    %select_n3A = arith.select %eq3A_44, %broadcast_in_dim3A, %broadcast_in_dim3A_46 : vector<512x128xi1>, vector<512x128xf32>
    %get3A_47 = arith.constant 0 : index
    %get3A_48 = arith.constant 0 : index
    %get3A_49 = vector.load %arg13[%get3A_47, %get3A_48] : memref<128x8xf32, #tpu.memory_space<vmem>>, vector<128x8xf32>
    %convert_element_type3A_50 = arith.truncf %select_n3A : vector<512x128xf32> to vector<512x128xbf16>
    %convert_element_type3A_51 = arith.truncf %get3A_49 : vector<128x8xf32> to vector<128x8xbf16>
    %dot_general3A_52 = arith.constant dense<0.000000e+00> : vector<512x8xf32>
    %dot_general3A_53 = tpu.matmul %convert_element_type3A_50, %convert_element_type3A_51, %dot_general3A_52 {dimension_numbers = #tpu.dot_dimension_numbers<[1], [0], [0], [1], [0, 0, 1, 1], [], []>, transpose_lhs_hint = false} : vector<512x128xbf16>, vector<128x8xbf16>, vector<512x8xf32> -> vector<512x8xf32>
    %get3A_54 = arith.constant 0 : index
    %get3A_55 = arith.constant 0 : index
    %get3A_56 = vector.load %arg7[%get3A_54, %get3A_55] : memref<8x256xf32, #tpu.memory_space<vmem>>, vector<8x256xf32>
    %convert_element_type3A_57 = arith.truncf %dot_general3A_53 : vector<512x8xf32> to vector<512x8xbf16>
    %convert_element_type3A_58 = arith.truncf %get3A_56 : vector<8x256xf32> to vector<8x256xbf16>
    %dot_general3A_59 = arith.constant dense<0.000000e+00> : vector<512x256xf32>
    %dot_general3A_60 = tpu.matmul %convert_element_type3A_57, %convert_element_type3A_58, %dot_general3A_59 {dimension_numbers = #tpu.dot_dimension_numbers<[1], [0], [0], [1], [0, 0, 1, 1], [], []>, transpose_lhs_hint = false} : vector<512x8xbf16>, vector<8x256xbf16>, vector<512x256xf32> -> vector<512x256xf32>
    %add3A_61 = arith.addf %add3A_42, %dot_general3A_60 : vector<512x256xf32>
    %iota3A_62 = tpu.iota {dimensions = array<i32: 1>} : vector<1x1024xi32>
    %eq3A_63 = vector.broadcast %get3A_4 : vector<512x1xi32> to vector<512x1024xi32>
    %eq3A_64 = vector.broadcast %iota3A_62 : vector<1x1024xi32> to vector<512x1024xi32>
    %eq3A_65 = arith.cmpi eq, %eq3A_63, %eq3A_64 : vector<512x1024xi32>
    %jit3A_66 = arith.constant 1.000000e+00 : f32
    %jit3A_67 = arith.constant 0.000000e+00 : f32
    %broadcast_in_dim3A_68 = vector.broadcast %jit3A_66 : f32 to vector<512x1024xf32>
    %broadcast_in_dim3A_69 = vector.broadcast %jit3A_67 : f32 to vector<512x1024xf32>
    %select_n3A_70 = arith.select %eq3A_65, %broadcast_in_dim3A_68, %broadcast_in_dim3A_69 : vector<512x1024xi1>, vector<512x1024xf32>
    %get3A_71 = arith.constant 0 : index
    %get3A_72 = arith.constant 0 : index
    %get3A_73 = vector.load %arg14[%get3A_71, %get3A_72] : memref<1024x8xf32, #tpu.memory_space<vmem>>, vector<1024x8xf32>
    %convert_element_type3A_74 = arith.truncf %select_n3A_70 : vector<512x1024xf32> to vector<512x1024xbf16>
    %convert_element_type3A_75 = arith.truncf %get3A_73 : vector<1024x8xf32> to vector<1024x8xbf16>
    %dot_general3A_76 = arith.constant dense<0.000000e+00> : vector<512x8xf32>
    %dot_general3A_77 = tpu.matmul %convert_element_type3A_74, %convert_element_type3A_75, %dot_general3A_76 {dimension_numbers = #tpu.dot_dimension_numbers<[1], [0], [0], [1], [0, 0, 1, 1], [], []>, transpose_lhs_hint = false} : vector<512x1024xbf16>, vector<1024x8xbf16>, vector<512x8xf32> -> vector<512x8xf32>
    %get3A_78 = arith.constant 0 : index
    %get3A_79 = arith.constant 0 : index
    %get3A_80 = vector.load %arg8[%get3A_78, %get3A_79] : memref<8x256xf32, #tpu.memory_space<vmem>>, vector<8x256xf32>
    %convert_element_type3A_81 = arith.truncf %dot_general3A_77 : vector<512x8xf32> to vector<512x8xbf16>
    %convert_element_type3A_82 = arith.truncf %get3A_80 : vector<8x256xf32> to vector<8x256xbf16>
    %dot_general3A_83 = arith.constant dense<0.000000e+00> : vector<512x256xf32>
    %dot_general3A_84 = tpu.matmul %convert_element_type3A_81, %convert_element_type3A_82, %dot_general3A_83 {dimension_numbers = #tpu.dot_dimension_numbers<[1], [0], [0], [1], [0, 0, 1, 1], [], []>, transpose_lhs_hint = false} : vector<512x8xbf16>, vector<8x256xbf16>, vector<512x256xf32> -> vector<512x256xf32>
    %add3A_85 = arith.addf %add3A_61, %dot_general3A_84 : vector<512x256xf32>
    %iota3A_86 = tpu.iota {dimensions = array<i32: 1>} : vector<1x128xi32>
    %eq3A_87 = vector.broadcast %get3A_7 : vector<512x1xi32> to vector<512x128xi32>
    %eq3A_88 = vector.broadcast %iota3A_86 : vector<1x128xi32> to vector<512x128xi32>
    %eq3A_89 = arith.cmpi eq, %eq3A_87, %eq3A_88 : vector<512x128xi32>
    %jit3A_90 = arith.constant 1.000000e+00 : f32
    %jit3A_91 = arith.constant 0.000000e+00 : f32
    %broadcast_in_dim3A_92 = vector.broadcast %jit3A_90 : f32 to vector<512x128xf32>
    %broadcast_in_dim3A_93 = vector.broadcast %jit3A_91 : f32 to vector<512x128xf32>
    %select_n3A_94 = arith.select %eq3A_89, %broadcast_in_dim3A_92, %broadcast_in_dim3A_93 : vector<512x128xi1>, vector<512x128xf32>
    %get3A_95 = arith.constant 0 : index
    %get3A_96 = arith.constant 0 : index
    %get3A_97 = vector.load %arg15[%get3A_95, %get3A_96] : memref<128x4xf32, #tpu.memory_space<vmem>>, vector<128x4xf32>
    %convert_element_type3A_98 = arith.truncf %select_n3A_94 : vector<512x128xf32> to vector<512x128xbf16>
    %convert_element_type3A_99 = arith.truncf %get3A_97 : vector<128x4xf32> to vector<128x4xbf16>
    %dot_general3A_100 = arith.constant dense<0.000000e+00> : vector<512x4xf32>
    %dot_general3A_101 = tpu.matmul %convert_element_type3A_98, %convert_element_type3A_99, %dot_general3A_100 {dimension_numbers = #tpu.dot_dimension_numbers<[1], [0], [0], [1], [0, 0, 1, 1], [], []>, transpose_lhs_hint = false} : vector<512x128xbf16>, vector<128x4xbf16>, vector<512x4xf32> -> vector<512x4xf32>
    %get3A_102 = arith.constant 0 : index
    %get3A_103 = arith.constant 0 : index
    %get3A_104 = vector.load %arg9[%get3A_102, %get3A_103] : memref<4x256xf32, #tpu.memory_space<vmem>>, vector<4x256xf32>
    %convert_element_type3A_105 = arith.truncf %dot_general3A_101 : vector<512x4xf32> to vector<512x4xbf16>
    %convert_element_type3A_106 = arith.truncf %get3A_104 : vector<4x256xf32> to vector<4x256xbf16>
    %dot_general3A_107 = arith.constant dense<0.000000e+00> : vector<512x256xf32>
    %dot_general3A_108 = tpu.matmul %convert_element_type3A_105, %convert_element_type3A_106, %dot_general3A_107 {dimension_numbers = #tpu.dot_dimension_numbers<[1], [0], [0], [1], [0, 0, 1, 1], [], []>, transpose_lhs_hint = false} : vector<512x4xbf16>, vector<4x256xbf16>, vector<512x256xf32> -> vector<512x256xf32>
    %add3A_109 = arith.addf %add3A_85, %dot_general3A_108 : vector<512x256xf32>
    %iota3A_110 = tpu.iota {dimensions = array<i32: 1>} : vector<1x128xi32>
    %eq3A_111 = vector.broadcast %get3A_10 : vector<512x1xi32> to vector<512x128xi32>
    %eq3A_112 = vector.broadcast %iota3A_110 : vector<1x128xi32> to vector<512x128xi32>
    %eq3A_113 = arith.cmpi eq, %eq3A_111, %eq3A_112 : vector<512x128xi32>
    %jit3A_114 = arith.constant 1.000000e+00 : f32
    %jit3A_115 = arith.constant 0.000000e+00 : f32
    %broadcast_in_dim3A_116 = vector.broadcast %jit3A_114 : f32 to vector<512x128xf32>
    %broadcast_in_dim3A_117 = vector.broadcast %jit3A_115 : f32 to vector<512x128xf32>
    %select_n3A_118 = arith.select %eq3A_113, %broadcast_in_dim3A_116, %broadcast_in_dim3A_117 : vector<512x128xi1>, vector<512x128xf32>
    %get3A_119 = arith.constant 0 : index
    %get3A_120 = arith.constant 0 : index
    %get3A_121 = vector.load %arg16[%get3A_119, %get3A_120] : memref<128x4xf32, #tpu.memory_space<vmem>>, vector<128x4xf32>
    %convert_element_type3A_122 = arith.truncf %select_n3A_118 : vector<512x128xf32> to vector<512x128xbf16>
    %convert_element_type3A_123 = arith.truncf %get3A_121 : vector<128x4xf32> to vector<128x4xbf16>
    %dot_general3A_124 = arith.constant dense<0.000000e+00> : vector<512x4xf32>
    %dot_general3A_125 = tpu.matmul %convert_element_type3A_122, %convert_element_type3A_123, %dot_general3A_124 {dimension_numbers = #tpu.dot_dimension_numbers<[1], [0], [0], [1], [0, 0, 1, 1], [], []>, transpose_lhs_hint = false} : vector<512x128xbf16>, vector<128x4xbf16>, vector<512x4xf32> -> vector<512x4xf32>
    %get3A_126 = arith.constant 0 : index
    %get3A_127 = arith.constant 0 : index
    %get3A_128 = vector.load %arg10[%get3A_126, %get3A_127] : memref<4x256xf32, #tpu.memory_space<vmem>>, vector<4x256xf32>
    %convert_element_type3A_129 = arith.truncf %dot_general3A_125 : vector<512x4xf32> to vector<512x4xbf16>
    %convert_element_type3A_130 = arith.truncf %get3A_128 : vector<4x256xf32> to vector<4x256xbf16>
    %dot_general3A_131 = arith.constant dense<0.000000e+00> : vector<512x256xf32>
    %dot_general3A_132 = tpu.matmul %convert_element_type3A_129, %convert_element_type3A_130, %dot_general3A_131 {dimension_numbers = #tpu.dot_dimension_numbers<[1], [0], [0], [1], [0, 0, 1, 1], [], []>, transpose_lhs_hint = false} : vector<512x4xbf16>, vector<4x256xbf16>, vector<512x256xf32> -> vector<512x256xf32>
    %add3A_133 = arith.addf %add3A_109, %dot_general3A_132 : vector<512x256xf32>
    %max3A = arith.constant 0.000000e+00 : f32
    %max3A_134 = vector.broadcast %max3A : f32 to vector<512x256xf32>
    %max3A_135 = arith.maximumf %add3A_133, %max3A_134 : vector<512x256xf32>
    %get3A_136 = arith.constant 0 : index
    %get3A_137 = arith.constant 0 : index
    %get3A_138 = vector.load %arg17[%get3A_136, %get3A_137] : memref<256x128xf32, #tpu.memory_space<vmem>>, vector<256x128xf32>
    %convert_element_type3A_139 = arith.truncf %max3A_135 : vector<512x256xf32> to vector<512x256xbf16>
    %convert_element_type3A_140 = arith.truncf %get3A_138 : vector<256x128xf32> to vector<256x128xbf16>
    %dot_general3A_141 = arith.constant dense<0.000000e+00> : vector<512x128xf32>
    %dot_general3A_142 = tpu.matmul %convert_element_type3A_139, %convert_element_type3A_140, %dot_general3A_141 {dimension_numbers = #tpu.dot_dimension_numbers<[1], [0], [0], [1], [0, 0, 1, 1], [], []>, transpose_lhs_hint = false} : vector<512x256xbf16>, vector<256x128xbf16>, vector<512x128xf32> -> vector<512x128xf32>
    %get3A_143 = arith.constant 0 : index
    %get3A_144 = arith.constant 0 : index
    %get3A_145 = vector.load %arg18[%get3A_143, %get3A_144] : memref<1x128xf32, #tpu.memory_space<vmem>>, vector<1x128xf32>
    %add3A_146 = vector.broadcast %get3A_145 : vector<1x128xf32> to vector<512x128xf32>
    %add3A_147 = arith.addf %dot_general3A_142, %add3A_146 : vector<512x128xf32>
    %max3A_148 = arith.constant 0.000000e+00 : f32
    %max3A_149 = vector.broadcast %max3A_148 : f32 to vector<512x128xf32>
    %max3A_150 = arith.maximumf %add3A_147, %max3A_149 : vector<512x128xf32>
    %get3A_151 = arith.constant 0 : index
    %get3A_152 = arith.constant 0 : index
    %get3A_153 = vector.load %arg19[%get3A_151, %get3A_152] : memref<128x64xf32, #tpu.memory_space<vmem>>, vector<128x64xf32>
    %convert_element_type3A_154 = arith.truncf %max3A_150 : vector<512x128xf32> to vector<512x128xbf16>
    %convert_element_type3A_155 = arith.truncf %get3A_153 : vector<128x64xf32> to vector<128x64xbf16>
    %dot_general3A_156 = arith.constant dense<0.000000e+00> : vector<512x64xf32>
    %dot_general3A_157 = tpu.matmul %convert_element_type3A_154, %convert_element_type3A_155, %dot_general3A_156 {dimension_numbers = #tpu.dot_dimension_numbers<[1], [0], [0], [1], [0, 0, 1, 1], [], []>, transpose_lhs_hint = false} : vector<512x128xbf16>, vector<128x64xbf16>, vector<512x64xf32> -> vector<512x64xf32>
    %get3A_158 = arith.constant 0 : index
    %get3A_159 = arith.constant 0 : index
    %get3A_160 = vector.load %arg20[%get3A_158, %get3A_159] : memref<1x64xf32, #tpu.memory_space<vmem>>, vector<1x64xf32>
    %add3A_161 = vector.broadcast %get3A_160 : vector<1x64xf32> to vector<512x64xf32>
    %add3A_162 = arith.addf %dot_general3A_157, %add3A_161 : vector<512x64xf32>
    %max3A_163 = arith.constant 0.000000e+00 : f32
    %max3A_164 = vector.broadcast %max3A_163 : f32 to vector<512x64xf32>
    %max3A_165 = arith.maximumf %add3A_162, %max3A_164 : vector<512x64xf32>
    %get3A_166 = arith.constant 0 : index
    %get3A_167 = arith.constant 0 : index
    %get3A_168 = vector.load %arg21[%get3A_166, %get3A_167] : memref<64x64xf32, #tpu.memory_space<vmem>>, vector<64x64xf32>
    %convert_element_type3A_169 = arith.truncf %max3A_165 : vector<512x64xf32> to vector<512x64xbf16>
    %convert_element_type3A_170 = arith.truncf %get3A_168 : vector<64x64xf32> to vector<64x64xbf16>
    %dot_general3A_171 = arith.constant dense<0.000000e+00> : vector<512x64xf32>
    %dot_general3A_172 = tpu.matmul %convert_element_type3A_169, %convert_element_type3A_170, %dot_general3A_171 {dimension_numbers = #tpu.dot_dimension_numbers<[1], [0], [0], [1], [0, 0, 1, 1], [], []>, transpose_lhs_hint = false} : vector<512x64xbf16>, vector<64x64xbf16>, vector<512x64xf32> -> vector<512x64xf32>
    %get3A_173 = arith.constant 0 : index
    %get3A_174 = arith.constant 0 : index
    %get3A_175 = vector.load %arg22[%get3A_173, %get3A_174] : memref<1x64xf32, #tpu.memory_space<vmem>>, vector<1x64xf32>
    %add3A_176 = vector.broadcast %get3A_175 : vector<1x64xf32> to vector<512x64xf32>
    %add3A_177 = arith.addf %dot_general3A_172, %add3A_176 : vector<512x64xf32>
    %swap3A = arith.constant 0 : index
    %swap3A_178 = arith.constant 0 : index
    %swap3A_179 = vector.load %arg23[%swap3A, %swap3A_178] : memref<512x64xf32, #tpu.memory_space<vmem>>, vector<512x64xf32>
    tpu.vector_store %arg23[%swap3A, %swap3A_178], %add3A_177 {strides = array<i32>} : memref<512x64xf32, #tpu.memory_space<vmem>>, vector<512x64xf32>,
    return
  }
  func.func @transform_0(%arg0: i32) -> (i32, i32) {
    %c0_i32 = arith.constant 0 : i32
    %c0_i32_0 = arith.constant 0 : i32
    return %arg0, %c0_i32 : i32, i32
  }
  func.func @transform_1(%arg0: i32) -> (i32, i32) {
    %c0_i32 = arith.constant 0 : i32
    %c0_i32_0 = arith.constant 0 : i32
    return %arg0, %c0_i32 : i32, i32
  }
  func.func @transform_2(%arg0: i32) -> (i32, i32) {
    %c0_i32 = arith.constant 0 : i32
    %c0_i32_0 = arith.constant 0 : i32
    return %arg0, %c0_i32 : i32, i32
  }
  func.func @transform_3(%arg0: i32) -> (i32, i32) {
    %c0_i32 = arith.constant 0 : i32
    %c0_i32_0 = arith.constant 0 : i32
    return %arg0, %c0_i32 : i32, i32
  }
  func.func @transform_4(%arg0: i32) -> (i32, i32) {
    %c0_i32 = arith.constant 0 : i32
    %c0_i32_0 = arith.constant 0 : i32
    %c0_i32_1 = arith.constant 0 : i32
    return %c0_i32, %c0_i32_0 : i32, i32
  }
  func.func @transform_5(%arg0: i32) -> (i32, i32) {
    %c0_i32 = arith.constant 0 : i32
    %c0_i32_0 = arith.constant 0 : i32
    %c0_i32_1 = arith.constant 0 : i32
    return %c0_i32, %c0_i32_0 : i32, i32
  }
  func.func @transform_6(%arg0: i32) -> (i32, i32) {
    %c0_i32 = arith.constant 0 : i32
    %c0_i32_0 = arith.constant 0 : i32
    %c0_i32_1 = arith.constant 0 : i32
    return %c0_i32, %c0_i32_0 : i32, i32
  }
  func.func @transform_7(%arg0: i32) -> (i32, i32) {
    %c0_i32 = arith.constant 0 : i32
    %c0_i32_0 = arith.constant 0 : i32
    %c0_i32_1 = arith.constant 0 : i32
    return %c0_i32, %c0_i32_0 : i32, i32
  }
  func.func @transform_8(%arg0: i32) -> (i32, i32) {
    %c0_i32 = arith.constant 0 : i32
    %c0_i32_0 = arith.constant 0 : i32
    %c0_i32_1 = arith.constant 0 : i32
    return %c0_i32, %c0_i32_0 : i32, i32
  }
  func.func @transform_9(%arg0: i32) -> (i32, i32) {
    %c0_i32 = arith.constant 0 : i32
    %c0_i32_0 = arith.constant 0 : i32
    %c0_i32_1 = arith.constant 0 : i32
    return %c0_i32, %c0_i32_0 : i32, i32
  }
  func.func @transform_10(%arg0: i32) -> (i32, i32) {
    %c0_i32 = arith.constant 0 : i32
    %c0_i32_0 = arith.constant 0 : i32
    %c0_i32_1 = arith.constant 0 : i32
    return %c0_i32, %c0_i32_0 : i32, i32
  }
  func.func @transform_11(%arg0: i32) -> (i32, i32) {
    %c0_i32 = arith.constant 0 : i32
    %c0_i32_0 = arith.constant 0 : i32
    %c0_i32_1 = arith.constant 0 : i32
    return %c0_i32, %c0_i32_0 : i32, i32
  }
  func.func @transform_12(%arg0: i32) -> (i32, i32) {
    %c0_i32 = arith.constant 0 : i32
    %c0_i32_0 = arith.constant 0 : i32
    %c0_i32_1 = arith.constant 0 : i32
    return %c0_i32, %c0_i32_0 : i32, i32
  }
  func.func @transform_13(%arg0: i32) -> (i32, i32) {
    %c0_i32 = arith.constant 0 : i32
    %c0_i32_0 = arith.constant 0 : i32
    %c0_i32_1 = arith.constant 0 : i32
    return %c0_i32, %c0_i32_0 : i32, i32
  }
  func.func @transform_14(%arg0: i32) -> (i32, i32) {
    %c0_i32 = arith.constant 0 : i32
    %c0_i32_0 = arith.constant 0 : i32
    %c0_i32_1 = arith.constant 0 : i32
    return %c0_i32, %c0_i32_0 : i32, i32
  }
  func.func @transform_15(%arg0: i32) -> (i32, i32) {
    %c0_i32 = arith.constant 0 : i32
    %c0_i32_0 = arith.constant 0 : i32
    %c0_i32_1 = arith.constant 0 : i32
    return %c0_i32, %c0_i32_0 : i32, i32
  }
  func.func @transform_16(%arg0: i32) -> (i32, i32) {
    %c0_i32 = arith.constant 0 : i32
    %c0_i32_0 = arith.constant 0 : i32
    %c0_i32_1 = arith.constant 0 : i32
    return %c0_i32, %c0_i32_0 : i32, i32
  }
  func.func @transform_17(%arg0: i32) -> (i32, i32) {
    %c0_i32 = arith.constant 0 : i32
    %c0_i32_0 = arith.constant 0 : i32
    %c0_i32_1 = arith.constant 0 : i32
    return %c0_i32, %c0_i32_0 : i32, i32
  }
  func.func @transform_18(%arg0: i32) -> (i32, i32) {
    %c0_i32 = arith.constant 0 : i32
    %c0_i32_0 = arith.constant 0 : i32
    %c0_i32_1 = arith.constant 0 : i32
    return %c0_i32, %c0_i32_0 : i32, i32
  }
  func.func @transform_19(%arg0: i32) -> (i32, i32) {
    %c0_i32 = arith.constant 0 : i32
    %c0_i32_0 = arith.constant 0 : i32
    %c0_i32_1 = arith.constant 0 : i32
    return %c0_i32, %c0_i32_0 : i32, i32
  }
  func.func @transform_20(%arg0: i32) -> (i32, i32) {
    %c0_i32 = arith.constant 0 : i32
    %c0_i32_0 = arith.constant 0 : i32
    %c0_i32_1 = arith.constant 0 : i32
    return %c0_i32, %c0_i32_0 : i32, i32
  }
  func.func @transform_21(%arg0: i32) -> (i32, i32) {
    %c0_i32 = arith.constant 0 : i32
    %c0_i32_0 = arith.constant 0 : i32
    %c0_i32_1 = arith.constant 0 : i32
    return %c0_i32, %c0_i32_0 : i32, i32
  }
  func.func @transform_22(%arg0: i32) -> (i32, i32) {
    %c0_i32 = arith.constant 0 : i32
    %c0_i32_0 = arith.constant 0 : i32
    return %arg0, %c0_i32 : i32, i32
  }
}

</mosaic_0001>

<sc_bundles>
// kernel: kernel.4.cloned.1.call-start
scs
__scs_entry_jumppad:
0x0: {  	(pc) =	sbr.rel $0x88, $3  }
0x1: {  	(tag) =	ssettag $0x0;
	lr =	simm.s32 $0x1  }
0x2: {  	[smem:$0x3F8C] =	sst lr;
	_ =	strace $0xD0000000  }
0x3: {  	_ = 	snop  }
0x4: {  	_ = 	snop  }
0x5: {  	_ = 	snop  }
0x6: {  	_ = 	snop  }
0x7: {  	_ = 	snop  }
__scs_overlays_trampoline_lowered:
0x8: {  	[smem:$0x3F9B] =	sst s0  }
0x9: {  	[smem:$0x3F9C] =	sst s1  }
0xa: {  	[smem:$0x3F9D] =	sst s2  }
0xb: {  	[smem:$0x3F9E] =	sst s3  }
0xc: {  	[smem:$0x3F9F] =	sst s4  }
0xd: {  	[smem:$0x3FA0] =	sst s5  }
0xe: {  	[smem:$0x3FA1] =	sst s6  }
0xf: {  	[smem:$0x3FA2] =	sst s7  }
0x10: {  	[smem:$0x3FA3] =	sst s8  }
0x11: {  	[smem:$0x3FA4] =	sst s9;
	s0 =	simm.s32 @!p0 $0x0  }
0x12: {  	s1 =	sld [smem:$0x3F8A];
	s0 =	simm.s32 @p0 $0x1  }
0x13: {  	[smem:$0x3FA5] =	sst s0;
	s0 =	simm.s32 @!p1 $0x0  }
0x14: {  	s2 =	sld [smem:$0x3F89];
	s0 =	simm.s32 @p1 $0x1  }
0x15: {  	[smem:$0x3FA6] =	sst s0;
	s0 =	simm.s32 @!p2 $0x0  }
0x16: {  	s3 =	sld [smem:$0x3FDB];
	s0 =	simm.s32 @p2 $0x1  }
0x17: {  	s4 =	simm.s32 $0x1BF5;
	[smem:$0x3FA8] =	sst s0  }
0x18: {  	s0 =	sld [smem:$0x3F8B];
	_ =	swait.ge [sflag:s4], $0x0  }
0x19: {  	s7 =	sld [smem:$0x3F8C]  }
0x1a: {  	s8 =	sadd.s32 $0xFFFFE003, lr  }
0x1b: {  	s9 =	sadd.s32 $0xFFFFFEF7, lr;
	s5 =	simm.s32 $0xFFFFFFFF;
	p2 =	slt.u32 s8, $0xFFFFF086  }
0x1c: {  	p1 =	slt.u32 s9, $0xF7A;
	s5 =	simm.s32 @!p2 $0x0  }
0x1d: {  	s5 =	simm.s32 @p1 $0x1;
	p0 =	seq.s32 s7, s2  }
0x1e: {  	s7 =	smul.u32 @!p0 $0xF7A, s2;
	p2 =	seq.s32 @!p0 s5, $0x0  }
0x1f: {  	s9 =	smul.u32 $0xF7A, s1;
	s8 =	simm.s32 @!p0 $0x1BF5;
	p2 =	por !p2, p0  }
0x20: {  	[sflag:s8] =	ssyncset.s32 @!p0 $0xFFFFF086;
	s6 =	sadd.s32 @!p0 s3, s7;
	s7 =	simm.s32 @!p0 $0x108  }
0x21: {  	s3 =	sadd.s32 s3, s9;
	s6 =	sadd.s32 @!p0 $0x88, s6;
	s7 =	simm.s32 @p2 $0x1082  }
0x22: {  	[simem:s7], [sflag:s8] =	dma.local @!p0 [hbm:s6], $0xF7A  }
0x23: {  	s9 =	sor.u32 $0xD0000000, s2;
	s6 =	simm.s32 $0x108;
	_ =	swait.ge @!p0 [sflag:s8], $0x0  }
0x24: {  	s3 =	sadd.s32 $0x88, s3;
	s6 =	simm.s32 @!p1 $0x1082;
	[sflag:s4] =	ssyncset.s32 $0xFFFFF086  }
0x25: {  	[simem:s6], [sflag:s4] =	dma.local [hbm:s3], $0xF7A  }
0x26: {  	[smem:$0x3F8C] =	sst s1;
	(tag) =	ssettag s2;
	_ =	strace s9  }
0x27: {  	s1 =	sld [smem:$0x3F9C]  }
0x28: {  	s2 =	sld [smem:$0x3F9D]  }
0x29: {  	s4 =	sld [smem:$0x3F9F]  }
0x2a: {  	p0 =	seq.s32 s5, $0x0;
	s5 =	sld [smem:$0x3FA0]  }
0x2b: {  	s6 =	sld [smem:$0x3FA1]  }
0x2c: {  	s7 =	sld [smem:$0x3FA2]  }
0x2d: {  	s3 =	simm.s32 $0x108;
	s8 =	sld [smem:$0x3FA3]  }
0x2e: {  	s3 =	simm.s32 @!p0 $0x1082;
	s9 =	sld [smem:$0x3FA4]  }
0x2f: {  	lr =	sadd.s32 s0, s3;
	s0 =	sld [smem:$0x3F9B]  }
0x30: {  	s3 =	sld [smem:$0x3F9E]  }
0x31: {  	[smem:$0x3FA7] =	sst s10  }
0x32: {  	s10 =	sld [smem:$0x3FA5];
	_ =	sdelay $0x3  }
0x33: {  	p0 =	seq.s32 s10, $0x1;
	s10 =	sld [smem:$0x3FA7];
	_ =	sdelay $0x3  }
0x34: {  	[smem:$0x3FA7] =	sst s10  }
0x35: {  	s10 =	sld [smem:$0x3FA6];
	_ =	sdelay $0x3  }
0x36: {  	p1 =	seq.s32 s10, $0x1;
	s10 =	sld [smem:$0x3FA7];
	_ =	sdelay $0x3  }
0x37: {  	[smem:$0x3FA7] =	sst s10  }
0x38: {  	s10 =	sld [smem:$0x3FA8]  }
0x39: {  	_ = 	snop;
	(pc) =	sbr.ind lr, $3  }
0x3a: {  	_ = 	snop  }
0x3b: {  	_ = 	snop  }
0x3c: {  	p2 =	seq.s32 s10, $0x1;
	s10 =	sld [smem:$0x3FA7]  }
0x3d: {  	_ =	shalt  }
0x3e: {  	_ =	shalt  }
0x3f: {  	_ =	shalt  }
0x40: {  	_ =	shalt  }
0x41: {  	_ =	shalt  }
0x42: {  	_ =	shalt  }
0x43: {  	_ =	shalt  }
0x44: {  	_ =	shalt  }
0x45: {  	_ =	shalt  }
0x46: {  	_ =	shalt  }
0x47: {  	_ =	shalt  }
0x48: {  	_ =	shalt  }
0x49: {  	_ =	shalt  }
0x4a: {  	_ =	shalt  }
0x4b: {  	_ =	shalt  }
0x4c: {  	_ =	shalt  }
0x4d: {  	_ =	shalt  }
0x4e: {  	_ =	shalt  }
0x4f: {  	_ =	shalt  }
0x50: {  	_ =	shalt  }
0x51: {  	_ =	shalt  }
0x52: {  	_ =	shalt  }
0x53: {  	_ =	shalt  }
0x54: {  	_ =	shalt  }
0x55: {  	_ =	shalt  }
0x56: {  	_ =	shalt  }
0x57: {  	_ =	shalt  }
0x58: {  	_ =	shalt  }
0x59: {  	_ =	shalt  }
0x5a: {  	_ =	shalt  }
0x5b: {  	_ =	shalt  }
0x5c: {  	_ =	shalt  }
0x5d: {  	_ =	shalt  }
0x5e: {  	_ =	shalt  }
0x5f: {  	_ =	shalt  }
0x60: {  	_ =	shalt  }
0x61: {  	_ =	shalt  }
0x62: {  	_ =	shalt  }
0x63: {  	_ =	shalt  }
0x64: {  	_ =	shalt  }
0x65: {  	_ =	shalt  }
0x66: {  	_ =	shalt  }
0x67: {  	_ =	shalt  }
0x68: {  	_ =	shalt  }
0x69: {  	_ =	shalt  }
0x6a: {  	_ =	shalt  }
0x6b: {  	_ =	shalt  }
0x6c: {  	_ =	shalt  }
0x6d: {  	_ =	shalt  }
0x6e: {  	_ =	shalt  }
0x6f: {  	_ =	shalt  }
0x70: {  	_ =	shalt  }
0x71: {  	_ =	shalt  }
0x72: {  	_ =	shalt  }
0x73: {  	_ =	shalt  }
0x74: {  	_ =	shalt  }
0x75: {  	_ =	shalt  }
0x76: {  	_ =	shalt  }
0x77: {  	_ =	shalt  }
0x78: {  	_ =	shalt  }
0x79: {  	_ =	shalt  }
0x7a: {  	_ =	shalt  }
0x7b: {  	_ =	shalt  }
0x7c: {  	_ =	shalt  }
0x7d: {  	_ =	shalt  }
0x7e: {  	_ =	shalt  }
0x7f: {  	_ =	shalt  }
0x80: {  	_ =	shalt  }
0x81: {  	_ =	shalt  }
0x82: {  	_ =	shalt  }
0x83: {  	_ =	shalt  }
0x84: {  	_ =	shalt  }
0x85: {  	_ =	shalt  }
0x86: {  	_ =	shalt  }
0x87: {  	_ =	shalt  }
.Lfunc_end0:
.L_simem_size_0:
called_computation_lowered:
.L_overlay_start_0:
0x88: {  	s2 =	sld [smem:$0x3FD9]  }
0x89: {  	s3 =	sld [smem:$0x3FFE];
	_ =	sdelay $0x1  }
0x8a: {  	s1 =	srdreg.scid  }
0x8b: {  	s0 =	sand.u32 $0x1, s1  }
0x8c: {  	s17 =	sshll.u32 s0, $0xA;
	s2 =	sadd.s32 s3, s2  }
0x8d: {  	s2 =	sadd.s32 s2, s17  }
0x8e: {  	[smem:$0x3FB3] =	sst s2  }
0x8f: {  	_ = 	snop  }
0x90: {  	s2 =	sld [smem:$0x3FC9]  }
0x91: {  	s18 =	sld [smem:$0x3FC8];
	(tm) =	ssettm $0x1  }
0x92: {  	s4 =	sld [smem:$0x3FFB];
	_ =	sdelay $0x3  }
0x93: {  	_ =	strace s4  }
0x94: {  	s4 =	sld [smem:$0x3FFC];
	_ =	sdelay $0x3  }
0x95: {  	_ =	strace s4  }
0x96: {  	s4 =	sld [smem:$0x3FFD];
	_ =	sdelay $0x3  }
0x97: {  	_ =	strace s4  }
0x98: {  	_ =	strace $0x8FFFFFFF  }
0x99: {  	s19 =	sld [smem:$0x3FDB];
	_ =	sdelay $0x1  }
0x9a: {  	s5 =	simm.s32 $_scs_section_size  }
0x9b: {  	s6 =	simm.s32 $_size__tile_overlayer_lowered;
	s7 =	simm.s32 $_tile_overlayer_lowered  }
0x9c: {  	s22 =	simm.s32 $0x1BFF;
	s21 =	sshll.u32 s7, $0x1;
	s4 =	sadd.s32 s5, s19  }
0x9d: {  	s8 =	simm.s32 $0x0;
	s20 =	sshll.u32 s6, $0x1;
	s6 =	sadd.s32 s21, s4  }
0x9e: {  	[timem:s8], [sflag:s22] =	dma.local [hbm:s6], s20  }
0x9f: {  	_ =	swait.ge [sflag:s22], s20  }
0xa0: {  	s5 =	ssub.s32 $0x0, s20;
	[sflag:s22] =	ssyncset.done $0x0  }
0xa1: {  	[sflag:s22] =	ssyncadd.s32 s5;
	_ =	sdelay $0x1  }
0xa2: {  	s23 =	simm.s32 $0x1B8B  }
0xa3: {  	_ =	swait.ge [sflag:s23], $0x1  }
0xa4: {  	[sflag:s23] =	ssyncset.done $0x0  }
0xa5: {  	s25 =	simm.s32 $0x1B8E;
	s24 =	sld [smem:$0x3FFE];
	[sflag:s23] =	ssyncadd.s32 $0xFFFFFFFF  }
0xa6: {  	s26 =	simm.s32 $execute0_lowered;
	[smem:$0x3FD2] =	sst s25  }
0xa7: {  	s6 =	sshll.u32 s26, $0x1;
	_ =	strace $0x80000046;
	[dreg:$0x1] =	wrdreg $0xFFFFFFFF  }
0xa8: {  	s28 =	simm.s32 $_size_execute0_lowered;
	s4 =	sadd.s32 s4, s6;
	[dreg:$0x0] =	wrdreg $0x0  }
0xa9: {  	s6 =	sshll.u32 s28, $0x1;
	[dreg:$0x2] =	wrdreg s4  }
0xaa: {  	[dreg:$0x3] =	wrdreg s6  }
0xab: {  	[dreg:$0x4] =	wrdreg $0xC0  }
0xac: {  	_ =	task [dreg:s8], $0x5FFFF  }
0xad: {  	[dreg:$0x1] =	wrdreg $0xFFFFFFFF  }
0xae: {  	[dreg:$0x0] =	wrdreg $0x60  }
0xaf: {  	[dreg:$0x2] =	wrdreg s24  }
0xb0: {  	[dreg:$0x3] =	wrdreg s2  }
0xb1: {  	[dreg:$0x4] =	wrdreg s18  }
0xb2: {  	[dreg:$0x5] =	wrdreg $0x9  }
0xb3: {  	_ =	task.clear_ibuf [dreg:s8], $0x6FFFF;
	_ =	strace $0x90000046  }
0xb4: {  	s29 =	simm.s32 $0x9;
	_ =	strace $0x80000048  }
0xb5: {  	_ =	swait.ge [sflag:s29], $0x1  }
0xb6: {  	[sflag:s29] =	ssyncadd.s32 $0xFFFFFFFF  }
0xb7: {  	_ =	strace $0x90000048  }
0xb8: {  	_ =	sfence  }
0xb9: {  	s30 =	sld [smem:$0x0];
	_ =	sdelay $0x2  }
0xba: {  	s31 =	sshll.u32 s1, $0xD;
	s1 =	sshrl.u32 s1, $0x2  }
0xbb: {  	s3 =	sand.u32 $0x4000, s31;
	s1 =	sadd.s32 s1, s30  }
0xbc: {  	s0 =	sor.u32 s3, s0;
	s1 =	sshll.u32 s1, $0x11  }
0xbd: {  	s0 =	sor.u32 s1, s0  }
0xbe: {  	s0 =	sadd.s32 $0x8F2B, s0  }
0xbf: {  	[sflag:s0] =	ssyncadd.remote.s32 $0x1  }
0xc0: {  	_ =	sfence.sel $0xFFFF  }
0xc1: {  	[dreg:$0x0] =	wrdreg $0xFFFFFFFF;
	(pc) =	sbr.abs _section_cstart, $3  }
0xc2: {  	[dreg:$0x1] =	wrdreg $0xFFFFFFFF  }
0xc3: {  	_ =	task.clear_ibuf [dreg:s8], $0x2FFFF;
	_ =	strace $0x9FFFFFFF  }
0xc4: {  	(tm) =	ssettm $0x7FFFFFFF  }
0xc5: {  	_ =	shalt  }
tec
execute0_lowered:
.L_overlay_start_1:
0x0: {  	(tag) =	ssettag $0x1  }
0x1: {  	s17 =	rddreg [dreg:$0x0];
	s1 =	srdreg.scid  }
0x2: {  	s3 =	rddreg [dreg:$0x1];
	s0 =	stileid.u32;
	s21 =	sand.u32 $0x1, s1  }
0x3: {  	s5 =	rddreg [dreg:$0x2];
	s4 =	sshll.u32 s0, $0xA;
	s6 =	sshll.u32 s21, $0x9  }
0x4: {  	s2 =	simm.s32 $0x0;
	s1 =	rddreg [dreg:$0x3];
	s16 =	sor.u32 s6, s4  }
0x5: {  	[smem:$0x7FF] =	sst s2;
	s6 =	sshrl.u32 s16, $0x3  }
0x6: {  	_ =	strace $0x80000047;
	s4 =	sadd.s32 s3, s6;
	s3 =	simm.s32 $0x2  }
0x7: {  	[tilespmem:s2], [sflag:$0x2] =	stream.linear.gather [hbm4b:s4+s2], $0x200, $0x38;
	[tilespmem:$0x10400] =	vst v63  }
0x8: {  	_ =	swait.ge [sflag:s3], $0x200  }
0x9: {  	[sflag:s3] =	ssyncset.done $0x0  }
0xa: {  	s5 =	sadd.s32 s5, s6;
	s6 =	simm.s32 $0x200;
	[sflag:s3] =	ssyncadd.s32 $0xFFFFFE00  }
0xb: {  	[tilespmem:s6], [sflag:$0x2] =	stream.linear.gather [hbm4b:s5+s2], $0x200, $0x38;
	[tilespmem:$0x10400] =	vst v63  }
0xc: {  	_ =	swait.ge [sflag:s3], $0x200  }
0xd: {  	s8 =	simm.s32 $0x80;
	[sflag:s3] =	ssyncset.done $0x0  }
0xe: {  	s9 =	simm.s32 $0x400;
	s7 =	sadd.s32 $0xF46000, s17;
	[sflag:s3] =	ssyncadd.s32 $0xFFFFFE00  }
0xf: {  	[tilespmem:s9], [sflag:$0x1] =	stream.indirect.gather [hbm4b:s7+s8], $0x80, s2, s8, $0xb8;
	[tilespmem:$0x10400] =	vst v63  }
0x10: {  	s10 =	simm.s32 $0x4400  }
0x11: {  	[tilespmem:s10], [sflag:$0x1] =	stream.indirect.gather [hbm4b:s7+s8], $0x80, s8, s8, $0xb8;
	[tilespmem:$0x10400] =	vst v63  }
0x12: {  	s11 =	simm.s32 $0x100;
	s12 =	simm.s32 $0x8400  }
0x13: {  	[tilespmem:s12], [sflag:$0x1] =	stream.indirect.gather [hbm4b:s7+s8], $0x80, s11, s8, $0xb8;
	[tilespmem:$0x10400] =	vst v63  }
0x14: {  	s13 =	simm.s32 $0x180;
	s14 =	simm.s32 $0xC400;
	s15 =	simm.s32 $0x1  }
0x15: {  	[tilespmem:s14], [sflag:$0x1] =	stream.indirect.gather [hbm4b:s7+s8], $0x80, s13, s8, $0xb8;
	[tilespmem:$0x10400] =	vst v63  }
0x16: {  	_ =	swait.ge [sflag:s15], $0x4000  }
0x17: {  	[sflag:s15] =	ssyncset.done $0x0  }
0x18: {  	[sflag:s15] =	ssyncadd.s32 $0xFFFFC000  }
0x19: {  	_ =	swait.ge [sflag:s15], $0x4000  }
0x1a: {  	[sflag:s15] =	ssyncset.done $0x0  }
0x1b: {  	[sflag:s15] =	ssyncadd.s32 $0xFFFFC000  }
0x1c: {  	_ =	swait.ge [sflag:s15], $0x4000  }
0x1d: {  	[sflag:s15] =	ssyncset.done $0x0  }
0x1e: {  	[sflag:s15] =	ssyncadd.s32 $0xFFFFC000  }
0x1f: {  	s16 =	sshll.u32 s16, $0x4;
	_ =	swait.ge [sflag:s15], $0x4000  }
0x20: {  	s22 =	sadd.s32 s16, s17;
	[sflag:s15] =	ssyncset.done $0x0  }
0x21: {  	s16 =	sadd.s32 $0x2AE00, s22;
	[sflag:s15] =	ssyncadd.s32 $0xFFFFC000  }
0x22: {  	[hbm4b:s16+s2] =	stream.linear.scatter [tilespmem:s9], [sflag:$0x2], $0x10000, $0x38;
	[tilespmem:$0x10400] =	vst v63  }
0x23: {  	_ =	swait.ge [sflag:s3], $0x10000  }
0x24: {  	[sflag:s3] =	ssyncset.done $0x0  }
0x25: {  	s17 =	sadd.s32 $0x3C00, s17;
	[sflag:s3] =	ssyncadd.s32 $0xFFFF0000  }
0x26: {  	[tilespmem:s9], [sflag:$0x1] =	stream.indirect.gather [hbm4b:s17+s8], $0x80, s6, s8, $0xb8;
	[tilespmem:$0x10400] =	vst v63  }
0x27: {  	s18 =	simm.s32 $0x280  }
0x28: {  	[tilespmem:s10], [sflag:$0x1] =	stream.indirect.gather [hbm4b:s17+s8], $0x80, s18, s8, $0xb8;
	[tilespmem:$0x10400] =	vst v63  }
0x29: {  	s19 =	simm.s32 $0x300  }
0x2a: {  	[tilespmem:s12], [sflag:$0x1] =	stream.indirect.gather [hbm4b:s17+s8], $0x80, s19, s8, $0xb8;
	[tilespmem:$0x10400] =	vst v63  }
0x2b: {  	s20 =	simm.s32 $0x380  }
0x2c: {  	[tilespmem:s14], [sflag:$0x1] =	stream.indirect.gather [hbm4b:s17+s8], $0x80, s20, s8, $0xb8;
	[tilespmem:$0x10400] =	vst v63  }
0x2d: {  	_ =	swait.ge [sflag:s15], $0x4000  }
0x2e: {  	[sflag:s15] =	ssyncset.done $0x0  }
0x2f: {  	[sflag:s15] =	ssyncadd.s32 $0xFFFFC000  }
0x30: {  	_ =	swait.ge [sflag:s15], $0x4000  }
0x31: {  	[sflag:s15] =	ssyncset.done $0x0  }
0x32: {  	s21 =	ssub.s32 $0x2, s21;
	[sflag:s15] =	ssyncadd.s32 $0xFFFFC000  }
0x33: {  	s23 =	sshrl.u32 s21, $0x1;
	_ =	swait.ge [sflag:s15], $0x4000  }
0x34: {  	s23 =	ssub.s32 s21, s23;
	[sflag:s15] =	ssyncset.done $0x0  }
0x35: {  	s31 =	smax.u32 s23, $0x1;
	[sflag:s15] =	ssyncadd.s32 $0xFFFFC000  }
0x36: {  	p0 =	sne.s32 s31, $0x1;
	_ =	swait.ge [sflag:s15], $0x4000  }
.Ltmp0:
0x37: {  	[sflag:s15] =	ssyncset.done $0x0;
	(pc) =	sbr.rel @!p0 .LBB2_2-.Ltmp0, $4  }
0x38: {  	s21 =	sadd.s32 $0x6AE00, s22;
	[sflag:s15] =	ssyncadd.s32 $0xFFFFC000  }
0x39: {  	[hbm4b:s21+s2] =	stream.linear.scatter [tilespmem:s9], [sflag:$0x2], $0x10000, $0x38;
	[tilespmem:$0x10400] =	vst v63  }
0x3a: {  	_ =	swait.ge [sflag:s3], $0x10000  }
0x3b: {  	s22 =	sadd.s32 $0xFFFFFFFF, s31;
	[sflag:s3] =	ssyncset.done $0x0  }
.LBB2_1:
0x3c: {  	p0 =	sne.s32 s22, $0x1;
	s22 =	sadd.s32 $0xFFFFFFFF, s22;
	[sflag:s3] =	ssyncadd.s32 $0xFFFF0000  }
0x3d: {  	[tilespmem:s2], [sflag:$0x2] =	stream.linear.gather [hbm4b:s4+s2], $0x200, $0x38;
	[tilespmem:$0x10400] =	vst v63  }
0x3e: {  	_ =	swait.ge [sflag:s3], $0x200  }
0x3f: {  	[sflag:s3] =	ssyncset.done $0x0  }
0x40: {  	[sflag:s3] =	ssyncadd.s32 $0xFFFFFE00  }
0x41: {  	[tilespmem:s6], [sflag:$0x2] =	stream.linear.gather [hbm4b:s5+s2], $0x200, $0x38;
	[tilespmem:$0x10400] =	vst v63  }
0x42: {  	_ =	swait.ge [sflag:s3], $0x200  }
0x43: {  	[sflag:s3] =	ssyncset.done $0x0  }
0x44: {  	[sflag:s3] =	ssyncadd.s32 $0xFFFFFE00  }
0x45: {  	[tilespmem:s9], [sflag:$0x1] =	stream.indirect.gather [hbm4b:s7+s8], $0x80, s2, s8, $0xb8;
	[tilespmem:$0x10400] =	vst v63  }
0x46: {  	_ = 	snop  }
0x47: {  	[tilespmem:s10], [sflag:$0x1] =	stream.indirect.gather [hbm4b:s7+s8], $0x80, s8, s8, $0xb8;
	[tilespmem:$0x10400] =	vst v63  }
0x48: {  	_ = 	snop  }
0x49: {  	[tilespmem:s12], [sflag:$0x1] =	stream.indirect.gather [hbm4b:s7+s8], $0x80, s11, s8, $0xb8;
	[tilespmem:$0x10400] =	vst v63  }
0x4a: {  	_ = 	snop  }
0x4b: {  	[tilespmem:s14], [sflag:$0x1] =	stream.indirect.gather [hbm4b:s7+s8], $0x80, s13, s8, $0xb8;
	[tilespmem:$0x10400] =	vst v63  }
0x4c: {  	_ =	swait.ge [sflag:s15], $0x4000  }
0x4d: {  	[sflag:s15] =	ssyncset.done $0x0  }
0x4e: {  	[sflag:s15] =	ssyncadd.s32 $0xFFFFC000  }
0x4f: {  	_ =	swait.ge [sflag:s15], $0x4000  }
0x50: {  	[sflag:s15] =	ssyncset.done $0x0  }
0x51: {  	[sflag:s15] =	ssyncadd.s32 $0xFFFFC000  }
0x52: {  	_ =	swait.ge [sflag:s15], $0x4000  }
0x53: {  	[sflag:s15] =	ssyncset.done $0x0  }
0x54: {  	[sflag:s15] =	ssyncadd.s32 $0xFFFFC000  }
0x55: {  	_ =	swait.ge [sflag:s15], $0x4000  }
0x56: {  	[sflag:s15] =	ssyncset.done $0x0  }
0x57: {  	[sflag:s15] =	ssyncadd.s32 $0xFFFFC000  }
0x58: {  	[hbm4b:s16+s2] =	stream.linear.scatter [tilespmem:s9], [sflag:$0x2], $0x10000, $0x38;
	[tilespmem:$0x10400] =	vst v63  }
0x59: {  	_ =	swait.ge [sflag:s3], $0x10000  }
0x5a: {  	[sflag:s3] =	ssyncset.done $0x0  }
0x5b: {  	[sflag:s3] =	ssyncadd.s32 $0xFFFF0000  }
0x5c: {  	[tilespmem:s9], [sflag:$0x1] =	stream.indirect.gather [hbm4b:s17+s8], $0x80, s6, s8, $0xb8;
	[tilespmem:$0x10400] =	vst v63  }
0x5d: {  	_ = 	snop  }
0x5e: {  	[tilespmem:s10], [sflag:$0x1] =	stream.indirect.gather [hbm4b:s17+s8], $0x80, s18, s8, $0xb8;
	[tilespmem:$0x10400] =	vst v63  }
0x5f: {  	_ = 	snop  }
0x60: {  	[tilespmem:s12], [sflag:$0x1] =	stream.indirect.gather [hbm4b:s17+s8], $0x80, s19, s8, $0xb8;
	[tilespmem:$0x10400] =	vst v63  }
0x61: {  	_ = 	snop  }
0x62: {  	[tilespmem:s14], [sflag:$0x1] =	stream.indirect.gather [hbm4b:s17+s8], $0x80, s20, s8, $0xb8;
	[tilespmem:$0x10400] =	vst v63  }
0x63: {  	_ =	swait.ge [sflag:s15], $0x4000  }
0x64: {  	[sflag:s15] =	ssyncset.done $0x0  }
0x65: {  	[sflag:s15] =	ssyncadd.s32 $0xFFFFC000  }
0x66: {  	_ =	swait.ge [sflag:s15], $0x4000  }
0x67: {  	[sflag:s15] =	ssyncset.done $0x0  }
0x68: {  	[sflag:s15] =	ssyncadd.s32 $0xFFFFC000  }
0x69: {  	_ =	swait.ge [sflag:s15], $0x4000  }
0x6a: {  	[sflag:s15] =	ssyncset.done $0x0  }
0x6b: {  	[sflag:s15] =	ssyncadd.s32 $0xFFFFC000  }
0x6c: {  	_ =	swait.ge [sflag:s15], $0x4000  }
.Ltmp1:
0x6d: {  	[sflag:s15] =	ssyncset.done $0x0;
	(pc) =	sbr.rel @p0 .LBB2_1-.Ltmp1, $4  }
0x6e: {  	[sflag:s15] =	ssyncadd.s32 $0xFFFFC000  }
0x6f: {  	[hbm4b:s21+s2] =	stream.linear.scatter [tilespmem:s9], [sflag:$0x2], $0x10000, $0x38;
	[tilespmem:$0x10400] =	vst v63  }
0x70: {  	_ =	swait.ge [sflag:s3], $0x10000  }
0x71: {  	[sflag:s3] =	ssyncset.done $0x0  }
.LBB2_2:
0x72: {  	[sflag:s3] =	ssyncadd.s32 $0xFFFF0000  }
0x73: {  	_ =	sfence.sel $0x180000  }
0x74: {  	[bflag:$0x0] =	sbarrier.arrive $0xFFFF  }
0x75: {  	p0 =	sne.s32 s0, $0x0;
	_ =	strace $0x90000047  }
0x76: {  	s0 =	sadd.s32 @!p0 $0x100000, s1;
	[bflag:$0x2] =	sbarrier.arrive $0xFFFF  }
0x77: {  	[sflag:s0] =	ssyncadd.tile.s32 @!p0 $0x1;
	_ =	shalt  }
.Lfunc_end2:
_tile_overlayer_lowered:
.L_overlay_start_2:
0x78: {  	(tag) =	ssettag $0x2  }
0x79: {  	s0 =	rddreg [dreg:$0x0];
	s2 =	stileid.u32  }
0x7a: {  	s1 =	rddreg [dreg:$0x1];
	p0 =	sne.s32 s2, $0x0  }
0x7b: {  	s3 =	rddreg [dreg:$0x2];
	[bflag:$0x3] =	sbarrier.arrive $0xFFFF;
	s2 =	simm.s32 @!p0 $0x1C02  }
0x7c: {  	[timem:s3], [sflag:s2] =	dma.local @!p0 [hbm:s0], s1  }
0x7d: {  	s0 =	simm.s32 @!p0 $0x2  }
0x7e: {  	_ =	swait.ge @!p0 [sflag:s0], s1  }
0x7f: {  	s1 =	ssub.s32 @!p0 $0x0, s1;
	[sflag:s0] =	ssyncset.done @!p0 $0x0  }
0x80: {  	[sflag:s0] =	ssyncadd.s32 @!p0 s1  }
0x81: {  	[bflag:$0x3] =	sbarrier.arrive $0xFFFF  }
0x82: {  	_ =	shalt  }

</sc_bundles>
